<compile_context>
chip_gen: v7x
topology: tpu7x:2x2x1
jax: 0.10.2.dev20260603
libtpu: 0.0.44.dev20260713+nightly
codegen_flags: <defaults>
</compile_context>

<pallas_src>
import functools

import jax
import jax.numpy as jnp
from jax import lax
from jax.experimental import pallas as pl

_F32 = jnp.float32
_EPS = 1e-5


def _lrelu(x):
    return jnp.where(x > 0, x, 0.01 * x)


def _mm(a, b):
    return jnp.dot(a, b, preferred_element_type=_F32)


def _stats_rows(x, valid):
    xm = jnp.where(valid, x, 0.0)
    s0 = jnp.sum(xm, axis=1)
    s1 = jnp.sum(xm * xm, axis=1)
    z = jnp.zeros_like(s0)
    return jnp.stack([s0, s1, z, z, z, z, z, z], axis=0)


def _stage_a(mc_ref, mn_ref, mp_ref, hc_ref, hn_ref, hp_ref,
             erc_ref, ern_ref, eu_ref, elc_ref, elp_ref,
             Wi_ref, bi_ref,
             Wr1a_ref, Wr1b_ref, Wr1e_ref, br1_ref, Wr2_ref, br2_ref,
             Wu1a_ref, Wu1b_ref, Wu1e_ref, bu1_ref, Wu2_ref, bu2_ref,
             Wl1a_ref, Wl1b_ref, Wl1e_ref, bl1_ref, Wl2_ref, bl2_ref,
             Wn_ref, bnb_ref,
             ypre_ref, stats_ref, *, blk, t_total):
    i = pl.program_id(0)
    col = i * blk + lax.broadcasted_iota(jnp.int32, (1, blk), 1)

    def shift_next(c, n):
        return jnp.concatenate([c[:, 1:], n[:, :1]], axis=1)

    def shift_prev(c, p):
        return jnp.concatenate([p[:, -1:], c[:, :-1]], axis=1)

    C = hc_ref[...]
    h_next = shift_next(C, hn_ref[...])
    h_prev = shift_prev(C, hp_ref[...])
    er = shift_next(erc_ref[...], ern_ref[...])
    el = shift_prev(elc_ref[...], elp_ref[...])

    mC = mc_ref[...]
    dl = jnp.where(col > 0, mC - shift_prev(mC, mp_ref[...]), 0.0)
    dr = jnp.where(col < t_total - 1, shift_next(mC, mn_ref[...]) - mC, 0.0)
    minv = jnp.concatenate([dl, dr], axis=0)
    hy = _mm(Wi_ref[...], minv) + bi_ref[...]

    def edge_mlp(W1a, W1b, W1e, b1, W2, b2, nbr, ea):
        z1 = _lrelu(_mm(W1a[...], C) + _mm(W1b[...], nbr)
                    + _mm(W1e[...], ea) + b1[...])
        return _lrelu(_mm(W2[...], z1) + b2[...])

    fu = edge_mlp(Wu1a_ref, Wu1b_ref, Wu1e_ref, bu1_ref, Wu2_ref, bu2_ref,
                  hy, eu_ref[...])
    fr = edge_mlp(Wr1a_ref, Wr1b_ref, Wr1e_ref, br1_ref, Wr2_ref, br2_ref,
                  h_next, er)
    fl_ = edge_mlp(Wl1a_ref, Wl1b_ref, Wl1e_ref, bl1_ref, Wl2_ref, bl2_ref,
                   h_prev, el)

    agg = (fu + jnp.where(col < t_total - 1, fr, 0.0)
           + jnp.where(col > 0, fl_, 0.0))

    ypre = _mm(Wn_ref[...], agg) + bnb_ref[...]
    ypre_ref[...] = ypre

    st = _stats_rows(ypre, col < t_total)

    @pl.when(i == 0)
    def _():
        stats_ref[...] = st

    @pl.when(i != 0)
    def _():
        stats_ref[...] = stats_ref[...] + st


def _stage_b(ypre_ref, h_ref, sc1_ref, sh1_ref,
             Wih_ref, bih_ref, Whh_ref, bhh_ref, Wh1_ref, bh1_ref,
             hout_ref, x1pre_ref, stats_ref, *, nf, blk, t_total):
    i = pl.program_id(0)
    h0 = h_ref[...]
    y = _lrelu(ypre_ref[...] * sc1_ref[...] + sh1_ref[...])
    gx = _mm(Wih_ref[...], y) + bih_ref[...]
    gh = _mm(Whh_ref[...], h0) + bhh_ref[...]
    r = jax.nn.sigmoid(gx[0:nf] + gh[0:nf])
    z = jax.nn.sigmoid(gx[nf:2 * nf] + gh[nf:2 * nf])
    n = jnp.tanh(gx[2 * nf:3 * nf] + r * gh[2 * nf:3 * nf])
    hnew = (1.0 - z) * n + z * h0
    hout_ref[...] = hnew

    x1pre = _mm(Wh1_ref[...], hnew) + bh1_ref[...]
    x1pre_ref[...] = x1pre

    col = i * blk + lax.broadcasted_iota(jnp.int32, (1, blk), 1)
    st = _stats_rows(x1pre, col < t_total)

    @pl.when(i == 0)
    def _():
        stats_ref[...] = st

    @pl.when(i != 0)
    def _():
        stats_ref[...] = stats_ref[...] + st


def _stage_c(x1pre_ref, sc2_ref, sh2_ref, Wh2_ref, bh2_ref, dec_ref):
    x1 = jnp.maximum(x1pre_ref[...] * sc2_ref[...] + sh2_ref[...], 0.0)
    dec_ref[...] = _mm(Wh2_ref[...], x1) + bh2_ref[...]


def _pick_blk(t):
    return 1024 if t >= 1024 else t


def _bn_affine(stats, g, b, t):
    mean = stats[0] / t
    var = stats[1] / t - mean * mean
    scale = g / jnp.sqrt(var + _EPS)
    shift = b - mean * scale
    return scale[:, None], shift[:, None]


def kernel(h, meas, ea_right, ea_up, ea_left, ei_right, ei_up, ei_left,
           W_init, b_init, Wl1, bl1, Wl2, bl2, Wr1, br1, Wr2, br2,
           Wu1, bu1, Wu2, bu2, Wn, bnb, gn, btn, W_ih, b_ih, W_hh, b_hh,
           Wh1, bh1, gd, btd, Wh2, bh2):
    nf = h.shape[1]
    t = h.shape[2]
    ds = ea_up.shape[1]
    blk = _pick_blk(t)
    grid = (t + blk - 1) // blk

    h0 = h[0]
    m = meas[0]
    ear = ea_right[0]
    eal = ea_left[0]
    eu = ea_up[0]

    def split_w1(W):
        return W[:, :nf], W[:, nf:2 * nf], W[:, 2 * nf:]

    Wr1a, Wr1b, Wr1e = split_w1(Wr1)
    Wu1a, Wu1b, Wu1e = split_w1(Wu1)
    Wl1a, Wl1b, Wl1e = split_w1(Wl1)

    def col2(v):
        return v[:, None]

    node_spec = pl.BlockSpec((nf, blk), lambda i: (0, i))
    small_spec = lambda rows: pl.BlockSpec((rows, blk), lambda i: (0, i))
    full = lambda a: pl.BlockSpec(a.shape, lambda i: (0, 0))
    stats_spec = pl.BlockSpec((8, nf), lambda i: (0, 0))

    gmax = grid - 1
    next_spec = pl.BlockSpec((nf, blk), lambda i: (0, jnp.minimum(i + 1, gmax)))
    prev_spec = pl.BlockSpec((nf, blk), lambda i: (0, jnp.maximum(i - 1, 0)))

    def small_next(rows):
        return pl.BlockSpec((rows, blk), lambda i: (0, jnp.minimum(i + 1, gmax)))

    def small_prev(rows):
        return pl.BlockSpec((rows, blk), lambda i: (0, jnp.maximum(i - 1, 0)))

    dm = m.shape[0]
    a_in = [m, m, m, h0, h0, h0, ear, ear, eu, eal, eal,
            W_init, col2(b_init),
            Wr1a, Wr1b, Wr1e, col2(br1), Wr2, col2(br2),
            Wu1a, Wu1b, Wu1e, col2(bu1), Wu2, col2(bu2),
            Wl1a, Wl1b, Wl1e, col2(bl1), Wl2, col2(bl2),
            Wn, col2(bnb)]
    a_specs = ([small_spec(dm), small_next(dm), small_prev(dm),
                node_spec, next_spec, prev_spec,
                small_spec(ds), small_next(ds), small_spec(ds),
                small_spec(ds), small_prev(ds)]
               + [full(x) for x in a_in[11:]])

    ypre, stats1 = pl.pallas_call(
        functools.partial(_stage_a, blk=blk, t_total=t),
        grid=(grid,),
        in_specs=a_specs,
        out_specs=[node_spec, stats_spec],
        out_shape=[jax.ShapeDtypeStruct((nf, t), _F32),
                   jax.ShapeDtypeStruct((8, nf), _F32)],
    )(*a_in)

    sc1, sh1 = _bn_affine(stats1, gn, btn, t)

    b_in = [ypre, h0, sc1, sh1,
            W_ih, col2(b_ih), W_hh, col2(b_hh), Wh1, col2(bh1)]
    b_specs = [node_spec, node_spec] + [full(x) for x in b_in[2:]]

    hout, x1pre, stats2 = pl.pallas_call(
        functools.partial(_stage_b, nf=nf, blk=blk, t_total=t),
        grid=(grid,),
        in_specs=b_specs,
        out_specs=[node_spec, node_spec, stats_spec],
        out_shape=[jax.ShapeDtypeStruct((nf, t), _F32),
                   jax.ShapeDtypeStruct((nf, t), _F32),
                   jax.ShapeDtypeStruct((8, nf), _F32)],
    )(*b_in)

    sc2, sh2 = _bn_affine(stats2, gd, btd, t)

    c_in = [x1pre, sc2, sh2, Wh2, col2(bh2)]
    c_specs = [node_spec] + [full(x) for x in c_in[1:]]

    dec = pl.pallas_call(
        _stage_c,
        grid=(grid,),
        in_specs=c_specs,
        out_specs=pl.BlockSpec((ds, blk), lambda i: (0, i)),
        out_shape=jax.ShapeDtypeStruct((ds, t), _F32),
    )(*c_in)

    return dec[None], hout[None]

# --- scband reference (transcript-rebuilt; emitter-appended) ---
"""Pipeline reference for scband-gnn-kalman-83674552860994 (READ-ONLY COPY).

The authoritative reference and input builder live on the scoring server;
editing this copy changes nothing except your own understanding.
"""

import jax, jax.numpy as jnp
import numpy as np

T = 50000
NF = 256
DS = 4
DM = 2

def _mlp(x, W1, b1, W2, b2):
    x = jax.nn.leaky_relu(x @ W1.T + b1, 0.01)
    return jax.nn.leaky_relu(x @ W2.T + b2, 0.01)

def _bn(x, g, b, eps=1e-5):
    m = jnp.mean(x, axis=0)
    v = jnp.var(x, axis=0)
    return (x - m) / jnp.sqrt(v + eps) * g + b

def setup_inputs(seed: int = 0):
    key = jax.random.key(seed)
    ks = jax.random.split(key, 40)
    def rn(i, shape, s=1.0):
        return jax.random.normal(ks[i], shape, dtype=jnp.float32) * s
    inp = {}
    inp['h'] = rn(0, (1, NF, T))
    inp['meas'] = rn(1, (1, DM, T))
    inp['ea_right'] = rn(2, (1, DS, T))
    inp['ea_up'] = rn(3, (1, DS, T))
    inp['ea_left'] = rn(4, (1, DS, T))
    t = jnp.arange(T)
    inp['ei_right'] = jnp.stack([t[:-1], t[1:]])
    inp['ei_up'] = jnp.stack([t, t + T])
    inp['ei_left'] = jnp.stack([t[1:], t[:-1]])
    s = 0.05
    inp['W_init'] = rn(5, (NF, 2 * DM), s); inp['b_init'] = rn(6, (NF,), s)
    inp['Wl1'] = rn(7, (NF, 2 * NF + DS), s); inp['bl1'] = rn(8, (NF,), s)
    inp['Wl2'] = rn(9, (NF, NF), s); inp['bl2'] = rn(10, (NF,), s)
    inp['Wr1'] = rn(11, (NF, 2 * NF + DS), s); inp['br1'] = rn(12, (NF,), s)
    inp['Wr2'] = rn(13, (NF, NF), s); inp['br2'] = rn(14, (NF,), s)
    inp['Wu1'] = rn(15, (NF, 2 * NF + DS), s); inp['bu1'] = rn(16, (NF,), s)
    inp['Wu2'] = rn(17, (NF, NF), s); inp['bu2'] = rn(18, (NF,), s)
    inp['Wn'] = rn(19, (NF, NF), s); inp['bnb'] = rn(20, (NF,), s)
    inp['gn'] = jnp.ones((NF,), jnp.float32); inp['btn'] = jnp.zeros((NF,), jnp.float32)
    inp['W_ih'] = rn(21, (3 * NF, NF), s); inp['b_ih'] = rn(22, (3 * NF,), s)
    inp['W_hh'] = rn(23, (3 * NF, NF), s); inp['b_hh'] = rn(24, (3 * NF,), s)
    inp['Wh1'] = rn(25, (NF, NF), s); inp['bh1'] = rn(26, (NF,), s)
    inp['gd'] = jnp.ones((NF,), jnp.float32); inp['btd'] = jnp.zeros((NF,), jnp.float32)
    inp['Wh2'] = rn(27, (DS, NF), s); inp['bh2'] = rn(28, (DS,), s)
    return inp

def _forward(fl, ei_right, ei_up, ei_left):
    meas = fl['meas']
    # meas2inv: replicate-padded left/right first differences
    ml = jnp.concatenate([meas[:, :, :1], meas[:, :, :-1]], axis=2)
    mr = jnp.concatenate([meas[:, :, 1:], meas[:, :, -1:]], axis=2)
    minv = jnp.concatenate([meas - ml, mr - meas], axis=1)
    # init_h: hy = fc_init_y(meas_inv).squeeze(0).T
    hy = (fl['W_init'] @ minv[0] + fl['b_init'][:, None]).T
    h0 = fl['h'][0].T
    hcat = jnp.concatenate([h0, hy], axis=0)
    er = fl['ea_right'][0].T[1:]
    eu = fl['ea_up'][0].T
    el = fl['ea_left'][0].T[:-1]
    feats = []
    rows = []
    for ei, ea, W1, b1, W2, b2 in [
        (ei_right, er, fl['Wr1'], fl['br1'], fl['Wr2'], fl['br2']),
        (ei_up, eu, fl['Wu1'], fl['bu1'], fl['Wu2'], fl['bu2']),
        (ei_left, el, fl['Wl1'], fl['bl1'], fl['Wl2'], fl['bl2'])]:
        row, col = ei[0], ei[1]
        x = jnp.concatenate([hcat[row], hcat[col], ea], axis=1)
        feats.append(_mlp(x, W1, b1, W2, b2))
        rows.append(row)
    rows = jnp.concatenate(rows)
    feats = jnp.concatenate(feats, axis=0)
    agg = jax.ops.segment_sum(feats, rows, num_segments=T)
    # node_mlp: Linear + BatchNorm1d + LeakyReLU
    y = jax.nn.leaky_relu(_bn(agg @ fl['Wn'].T + fl['bnb'], fl['gn'], fl['btn']), 0.01)
    # GRUCell(y, h0)
    gx = y @ fl['W_ih'].T + fl['b_ih']
    gh = h0 @ fl['W_hh'].T + fl['b_hh']
    xr, xz, xn = jnp.split(gx, 3, axis=1)
    hr, hz, hn = jnp.split(gh, 3, axis=1)
    r = jax.nn.sigmoid(xr + hr)
    z = jax.nn.sigmoid(xz + hz)
    n = jnp.tanh(xn + r * hn)
    hnew = (1.0 - z) * n + z * h0
    # decode: conv1x1 -> Graph_bn -> relu -> conv1x1
    x1 = jax.nn.relu(_bn(hnew @ fl['Wh1'].T + fl['bh1'], fl['gd'], fl['btd']))
    dec = (x1 @ fl['Wh2'].T + fl['bh2']).T[None]
    hout = hnew.T[None]
    return dec, hout

def reference(h, meas, ea_right, ea_up, ea_left, ei_right, ei_up, ei_left,
              W_init, b_init, Wl1, bl1, Wl2, bl2, Wr1, br1, Wr2, br2,
              Wu1, bu1, Wu2, bu2, Wn, bnb, gn, btn, W_ih, b_ih, W_hh, b_hh,
              Wh1, bh1, gd, btd, Wh2, bh2):
    fl = {
        'h': h, 'meas': meas,
        'ea_right': ea_right, 'ea_up': ea_up, 'ea_left': ea_left,
        'W_init': W_init, 'b_init': b_init,
        'Wl1': Wl1, 'bl1': bl1, 'Wl2': Wl2, 'bl2': bl2,
        'Wr1': Wr1, 'br1': br1, 'Wr2': Wr2, 'br2': br2,
        'Wu1': Wu1, 'bu1': bu1, 'Wu2': Wu2, 'bu2': bu2,
        'Wn': Wn, 'bnb': bnb, 'gn': gn, 'btn': btn,
        'W_ih': W_ih, 'b_ih': b_ih, 'W_hh': W_hh, 'b_hh': b_hh,
        'Wh1': Wh1, 'bh1': bh1, 'gd': gd, 'btd': btd,
        'Wh2': Wh2, 'bh2': bh2,
    }
    return _forward(fl, ei_right, ei_up, ei_left)

if __name__ == "__main__":
    import jax
    _d = setup_inputs()
    print(jax.jit(kernel)(*tuple(_d.values())))

</pallas_src>

<mosaic_0001>
module attributes {stable_mosaic.version = 14 : i64} {
  func.func @_stage_a(%arg0: i32, %arg1: memref<2x1024xf32, #tpu.memory_space<vmem>>, %arg2: memref<2x1024xf32, #tpu.memory_space<vmem>>, %arg3: memref<2x1024xf32, #tpu.memory_space<vmem>>, %arg4: memref<256x1024xf32, #tpu.memory_space<vmem>>, %arg5: memref<256x1024xf32, #tpu.memory_space<vmem>>, %arg6: memref<256x1024xf32, #tpu.memory_space<vmem>>, %arg7: memref<4x1024xf32, #tpu.memory_space<vmem>>, %arg8: memref<4x1024xf32, #tpu.memory_space<vmem>>, %arg9: memref<4x1024xf32, #tpu.memory_space<vmem>>, %arg10: memref<4x1024xf32, #tpu.memory_space<vmem>>, %arg11: memref<4x1024xf32, #tpu.memory_space<vmem>>, %arg12: memref<256x4xf32, #tpu.memory_space<vmem>>, %arg13: memref<256x1xf32, #tpu.memory_space<vmem>>, %arg14: memref<256x256xf32, #tpu.memory_space<vmem>>, %arg15: memref<256x256xf32, #tpu.memory_space<vmem>>, %arg16: memref<256x4xf32, #tpu.memory_space<vmem>>, %arg17: memref<256x1xf32, #tpu.memory_space<vmem>>, %arg18: memref<256x256xf32, #tpu.memory_space<vmem>>, %arg19: memref<256x1xf32, #tpu.memory_space<vmem>>, %arg20: memref<256x256xf32, #tpu.memory_space<vmem>>, %arg21: memref<256x256xf32, #tpu.memory_space<vmem>>, %arg22: memref<256x4xf32, #tpu.memory_space<vmem>>, %arg23: memref<256x1xf32, #tpu.memory_space<vmem>>, %arg24: memref<256x256xf32, #tpu.memory_space<vmem>>, %arg25: memref<256x1xf32, #tpu.memory_space<vmem>>, %arg26: memref<256x256xf32, #tpu.memory_space<vmem>>, %arg27: memref<256x256xf32, #tpu.memory_space<vmem>>, %arg28: memref<256x4xf32, #tpu.memory_space<vmem>>, %arg29: memref<256x1xf32, #tpu.memory_space<vmem>>, %arg30: memref<256x256xf32, #tpu.memory_space<vmem>>, %arg31: memref<256x1xf32, #tpu.memory_space<vmem>>, %arg32: memref<256x256xf32, #tpu.memory_space<vmem>>, %arg33: memref<256x1xf32, #tpu.memory_space<vmem>>, %arg34: memref<256x1024xf32, #tpu.memory_space<vmem>>, %arg35: memref<8x256xf32, #tpu.memory_space<vmem>>) attributes {dimension_semantics = [#tpu.dimension_semantics<arbitrary>], iteration_bounds = array<i64: 49>, scalar_prefetch = 0 : i64, scratch_operands = 0 : i64, tpu.core_type = #tpu.core_type<tc>, window_params = [{transform_indices = @transform_0, window_bounds = array<i64: 2, 1024>}, {transform_indices = @transform_1, window_bounds = array<i64: 2, 1024>}, {transform_indices = @transform_2, window_bounds = array<i64: 2, 1024>}, {transform_indices = @transform_3, window_bounds = array<i64: 256, 1024>}, {transform_indices = @transform_4, window_bounds = array<i64: 256, 1024>}, {transform_indices = @transform_5, window_bounds = array<i64: 256, 1024>}, {transform_indices = @transform_6, window_bounds = array<i64: 4, 1024>}, {transform_indices = @transform_7, window_bounds = array<i64: 4, 1024>}, {transform_indices = @transform_8, window_bounds = array<i64: 4, 1024>}, {transform_indices = @transform_9, window_bounds = array<i64: 4, 1024>}, {transform_indices = @transform_10, window_bounds = array<i64: 4, 1024>}, {pipeline_mode = #tpu.pipeline_mode<synchronous>, transform_indices = @transform_11, window_bounds = array<i64: 256, 4>}, {pipeline_mode = #tpu.pipeline_mode<synchronous>, transform_indices = @transform_12, window_bounds = array<i64: 256, 1>}, {pipeline_mode = #tpu.pipeline_mode<synchronous>, transform_indices = @transform_13, window_bounds = array<i64: 256, 256>}, {pipeline_mode = #tpu.pipeline_mode<synchronous>, transform_indices = @transform_14, window_bounds = array<i64: 256, 256>}, {pipeline_mode = #tpu.pipeline_mode<synchronous>, transform_indices = @transform_15, window_bounds = array<i64: 256, 4>}, {pipeline_mode = #tpu.pipeline_mode<synchronous>, transform_indices = @transform_16, window_bounds = array<i64: 256, 1>}, {pipeline_mode = #tpu.pipeline_mode<synchronous>, transform_indices = @transform_17, window_bounds = array<i64: 256, 256>}, {pipeline_mode = #tpu.pipeline_mode<synchronous>, transform_indices = @transform_18, window_bounds = array<i64: 256, 1>}, {pipeline_mode = #tpu.pipeline_mode<synchronous>, transform_indices = @transform_19, window_bounds = array<i64: 256, 256>}, {pipeline_mode = #tpu.pipeline_mode<synchronous>, transform_indices = @transform_20, window_bounds = array<i64: 256, 256>}, {pipeline_mode = #tpu.pipeline_mode<synchronous>, transform_indices = @transform_21, window_bounds = array<i64: 256, 4>}, {pipeline_mode = #tpu.pipeline_mode<synchronous>, transform_indices = @transform_22, window_bounds = array<i64: 256, 1>}, {pipeline_mode = #tpu.pipeline_mode<synchronous>, transform_indices = @transform_23, window_bounds = array<i64: 256, 256>}, {pipeline_mode = #tpu.pipeline_mode<synchronous>, transform_indices = @transform_24, window_bounds = array<i64: 256, 1>}, {pipeline_mode = #tpu.pipeline_mode<synchronous>, transform_indices = @transform_25, window_bounds = array<i64: 256, 256>}, {pipeline_mode = #tpu.pipeline_mode<synchronous>, transform_indices = @transform_26, window_bounds = array<i64: 256, 256>}, {pipeline_mode = #tpu.pipeline_mode<synchronous>, transform_indices = @transform_27, window_bounds = array<i64: 256, 4>}, {pipeline_mode = #tpu.pipeline_mode<synchronous>, transform_indices = @transform_28, window_bounds = array<i64: 256, 1>}, {pipeline_mode = #tpu.pipeline_mode<synchronous>, transform_indices = @transform_29, window_bounds = array<i64: 256, 256>}, {pipeline_mode = #tpu.pipeline_mode<synchronous>, transform_indices = @transform_30, window_bounds = array<i64: 256, 1>}, {pipeline_mode = #tpu.pipeline_mode<synchronous>, transform_indices = @transform_31, window_bounds = array<i64: 256, 256>}, {pipeline_mode = #tpu.pipeline_mode<synchronous>, transform_indices = @transform_32, window_bounds = array<i64: 256, 1>}, {transform_indices = @transform_33, window_bounds = array<i64: 256, 1024>}, {pipeline_mode = #tpu.pipeline_mode<synchronous>, transform_indices = @transform_34, window_bounds = array<i64: 8, 256>}]} {
    %mul3A = arith.constant 1024 : i32
    %mul3A_0 = arith.muli %arg0, %mul3A : i32
    %iota3A = tpu.iota {dimensions = array<i32: 1>} : vector<1x1024xi32>
    %add3A = vector.broadcast %mul3A_0 : i32 to vector<1x1024xi32>
    %add3A_1 = arith.addi %add3A, %iota3A : vector<1x1024xi32>
    %get3A = arith.constant 0 : index
    %get3A_2 = arith.constant 0 : index
    %get3A_3 = vector.load %arg4[%get3A, %get3A_2] : memref<256x1024xf32, #tpu.memory_space<vmem>>, vector<256x1024xf32>
    %get3A_4 = arith.constant 0 : index
    %get3A_5 = arith.constant 0 : index
    %get3A_6 = vector.load %arg5[%get3A_4, %get3A_5] : memref<256x1024xf32, #tpu.memory_space<vmem>>, vector<256x1024xf32>
    %slice3A = vector.extract_strided_slice %get3A_3 {offsets = [0, 1], sizes = [256, 1023], strides = [1, 1]} : vector<256x1024xf32> to vector<256x1023xf32>
    %slice3A_7 = vector.extract_strided_slice %get3A_6 {offsets = [0, 0], sizes = [256, 1], strides = [1, 1]} : vector<256x1024xf32> to vector<256x1xf32>
    %concatenate3A = tpu.concatenate %slice3A, %slice3A_7 in 1 : vector<256x1023xf32>, vector<256x1xf32> -> vector<256x1024xf32>
    %get3A_8 = arith.constant 0 : index
    %get3A_9 = arith.constant 0 : index
    %get3A_10 = vector.load %arg6[%get3A_8, %get3A_9] : memref<256x1024xf32, #tpu.memory_space<vmem>>, vector<256x1024xf32>
    %slice3A_11 = vector.extract_strided_slice %get3A_10 {offsets = [0, 1023], sizes = [256, 1], strides = [1, 1]} : vector<256x1024xf32> to vector<256x1xf32>
    %slice3A_12 = vector.extract_strided_slice %get3A_3 {offsets = [0, 0], sizes = [256, 1023], strides = [1, 1]} : vector<256x1024xf32> to vector<256x1023xf32>
    %concatenate3A_13 = tpu.concatenate %slice3A_11, %slice3A_12 in 1 : vector<256x1xf32>, vector<256x1023xf32> -> vector<256x1024xf32>
    %get3A_14 = arith.constant 0 : index
    %get3A_15 = arith.constant 0 : index
    %get3A_16 = vector.load %arg7[%get3A_14, %get3A_15] : memref<4x1024xf32, #tpu.memory_space<vmem>>, vector<4x1024xf32>
    %get3A_17 = arith.constant 0 : index
    %get3A_18 = arith.constant 0 : index
    %get3A_19 = vector.load %arg8[%get3A_17, %get3A_18] : memref<4x1024xf32, #tpu.memory_space<vmem>>, vector<4x1024xf32>
    %slice3A_20 = vector.extract_strided_slice %get3A_16 {offsets = [0, 1], sizes = [4, 1023], strides = [1, 1]} : vector<4x1024xf32> to vector<4x1023xf32>
    %slice3A_21 = vector.extract_strided_slice %get3A_19 {offsets = [0, 0], sizes = [4, 1], strides = [1, 1]} : vector<4x1024xf32> to vector<4x1xf32>
    %concatenate3A_22 = tpu.concatenate %slice3A_20, %slice3A_21 in 1 : vector<4x1023xf32>, vector<4x1xf32> -> vector<4x1024xf32>
    %get3A_23 = arith.constant 0 : index
    %get3A_24 = arith.constant 0 : index
    %get3A_25 = vector.load %arg10[%get3A_23, %get3A_24] : memref<4x1024xf32, #tpu.memory_space<vmem>>, vector<4x1024xf32>
    %get3A_26 = arith.constant 0 : index
    %get3A_27 = arith.constant 0 : index
    %get3A_28 = vector.load %arg11[%get3A_26, %get3A_27] : memref<4x1024xf32, #tpu.memory_space<vmem>>, vector<4x1024xf32>
    %slice3A_29 = vector.extract_strided_slice %get3A_28 {offsets = [0, 1023], sizes = [4, 1], strides = [1, 1]} : vector<4x1024xf32> to vector<4x1xf32>
    %slice3A_30 = vector.extract_strided_slice %get3A_25 {offsets = [0, 0], sizes = [4, 1023], strides = [1, 1]} : vector<4x1024xf32> to vector<4x1023xf32>
    %concatenate3A_31 = tpu.concatenate %slice3A_29, %slice3A_30 in 1 : vector<4x1xf32>, vector<4x1023xf32> -> vector<4x1024xf32>
    %get3A_32 = arith.constant 0 : index
    %get3A_33 = arith.constant 0 : index
    %get3A_34 = vector.load %arg1[%get3A_32, %get3A_33] : memref<2x1024xf32, #tpu.memory_space<vmem>>, vector<2x1024xf32>
    %gt3A = arith.constant 0 : i32
    %gt3A_35 = vector.broadcast %gt3A : i32 to vector<1x1024xi32>
    %gt3A_36 = arith.cmpi sgt, %add3A_1, %gt3A_35 : vector<1x1024xi32>
    %get3A_37 = arith.constant 0 : index
    %get3A_38 = arith.constant 0 : index
    %get3A_39 = vector.load %arg3[%get3A_37, %get3A_38] : memref<2x1024xf32, #tpu.memory_space<vmem>>, vector<2x1024xf32>
    %slice3A_40 = vector.extract_strided_slice %get3A_39 {offsets = [0, 1023], sizes = [2, 1], strides = [1, 1]} : vector<2x1024xf32> to vector<2x1xf32>
    %slice3A_41 = vector.extract_strided_slice %get3A_34 {offsets = [0, 0], sizes = [2, 1023], strides = [1, 1]} : vector<2x1024xf32> to vector<2x1023xf32>
    %concatenate3A_42 = tpu.concatenate %slice3A_40, %slice3A_41 in 1 : vector<2x1xf32>, vector<2x1023xf32> -> vector<2x1024xf32>
    %sub3A = arith.subf %get3A_34, %concatenate3A_42 : vector<2x1024xf32>
    %jit3A = arith.constant 0.000000e+00 : f32
    %broadcast_in_dim3A = vector.shape_cast %gt3A_36 : vector<1x1024xi1> to vector<1x1024xi1>
    %broadcast_in_dim3A_43 = vector.broadcast %broadcast_in_dim3A : vector<1x1024xi1> to vector<2x1024xi1>
    %broadcast_in_dim3A_44 = vector.broadcast %jit3A : f32 to vector<2x1024xf32>
    %select_n3A = arith.select %broadcast_in_dim3A_43, %sub3A, %broadcast_in_dim3A_44 : vector<2x1024xi1>, vector<2x1024xf32>
    %lt3A = arith.constant 49999 : i32
    %lt3A_45 = vector.broadcast %lt3A : i32 to vector<1x1024xi32>
    %lt3A_46 = arith.cmpi slt, %add3A_1, %lt3A_45 : vector<1x1024xi32>
    %get3A_47 = arith.constant 0 : index
    %get3A_48 = arith.constant 0 : index
    %get3A_49 = vector.load %arg2[%get3A_47, %get3A_48] : memref<2x1024xf32, #tpu.memory_space<vmem>>, vector<2x1024xf32>
    %slice3A_50 = vector.extract_strided_slice %get3A_34 {offsets = [0, 1], sizes = [2, 1023], strides = [1, 1]} : vector<2x1024xf32> to vector<2x1023xf32>
    %slice3A_51 = vector.extract_strided_slice %get3A_49 {offsets = [0, 0], sizes = [2, 1], strides = [1, 1]} : vector<2x1024xf32> to vector<2x1xf32>
    %concatenate3A_52 = tpu.concatenate %slice3A_50, %slice3A_51 in 1 : vector<2x1023xf32>, vector<2x1xf32> -> vector<2x1024xf32>
    %sub3A_53 = arith.subf %concatenate3A_52, %get3A_34 : vector<2x1024xf32>
    %jit3A_54 = arith.constant 0.000000e+00 : f32
    %broadcast_in_dim3A_55 = vector.shape_cast %lt3A_46 : vector<1x1024xi1> to vector<1x1024xi1>
    %broadcast_in_dim3A_56 = vector.broadcast %broadcast_in_dim3A_55 : vector<1x1024xi1> to vector<2x1024xi1>
    %broadcast_in_dim3A_57 = vector.broadcast %jit3A_54 : f32 to vector<2x1024xf32>
    %select_n3A_58 = arith.select %broadcast_in_dim3A_56, %sub3A_53, %broadcast_in_dim3A_57 : vector<2x1024xi1>, vector<2x1024xf32>
    %concatenate3A_59 = tpu.concatenate %select_n3A, %select_n3A_58 in 0 : vector<2x1024xf32>, vector<2x1024xf32> -> vector<4x1024xf32>
    %get3A_60 = arith.constant 0 : index
    %get3A_61 = arith.constant 0 : index
    %get3A_62 = vector.load %arg12[%get3A_60, %get3A_61] : memref<256x4xf32, #tpu.memory_space<vmem>>, vector<256x4xf32>
    %dot_general3A = arith.constant dense<0.000000e+00> : vector<256x1024xf32>
    %dot_general3A_63 = tpu.matmul %get3A_62, %concatenate3A_59, %dot_general3A {dimension_numbers = #tpu.dot_dimension_numbers<[1], [0], [0], [1], [0, 0, 1, 1], [], []>, transpose_lhs_hint = false} : vector<256x4xf32>, vector<4x1024xf32>, vector<256x1024xf32> -> vector<256x1024xf32>
    %get3A_64 = arith.constant 0 : index
    %get3A_65 = arith.constant 0 : index
    %get3A_66 = vector.load %arg13[%get3A_64, %get3A_65] : memref<256x1xf32, #tpu.memory_space<vmem>>, vector<256x1xf32>
    %add3A_67 = vector.broadcast %get3A_66 : vector<256x1xf32> to vector<256x1024xf32>
    %add3A_68 = arith.addf %dot_general3A_63, %add3A_67 : vector<256x1024xf32>
    %get3A_69 = arith.constant 0 : index
    %get3A_70 = arith.constant 0 : index
    %get3A_71 = vector.load %arg9[%get3A_69, %get3A_70] : memref<4x1024xf32, #tpu.memory_space<vmem>>, vector<4x1024xf32>
    %get3A_72 = arith.constant 0 : index
    %get3A_73 = arith.constant 0 : index
    %get3A_74 = vector.load %arg20[%get3A_72, %get3A_73] : memref<256x256xf32, #tpu.memory_space<vmem>>, vector<256x256xf32>
    %dot_general3A_75 = arith.constant dense<0.000000e+00> : vector<256x1024xf32>
    %dot_general3A_76 = tpu.matmul %get3A_74, %get3A_3, %dot_general3A_75 {dimension_numbers = #tpu.dot_dimension_numbers<[1], [0], [0], [1], [0, 0, 1, 1], [], []>, transpose_lhs_hint = false} : vector<256x256xf32>, vector<256x1024xf32>, vector<256x1024xf32> -> vector<256x1024xf32>
    %get3A_77 = arith.constant 0 : index
    %get3A_78 = arith.constant 0 : index
    %get3A_79 = vector.load %arg21[%get3A_77, %get3A_78] : memref<256x256xf32, #tpu.memory_space<vmem>>, vector<256x256xf32>
    %dot_general3A_80 = arith.constant dense<0.000000e+00> : vector<256x1024xf32>
    %dot_general3A_81 = tpu.matmul %get3A_79, %add3A_68, %dot_general3A_80 {dimension_numbers = #tpu.dot_dimension_numbers<[1], [0], [0], [1], [0, 0, 1, 1], [], []>, transpose_lhs_hint = false} : vector<256x256xf32>, vector<256x1024xf32>, vector<256x1024xf32> -> vector<256x1024xf32>
    %add3A_82 = arith.addf %dot_general3A_76, %dot_general3A_81 : vector<256x1024xf32>
    %get3A_83 = arith.constant 0 : index
    %get3A_84 = arith.constant 0 : index
    %get3A_85 = vector.load %arg22[%get3A_83, %get3A_84] : memref<256x4xf32, #tpu.memory_space<vmem>>, vector<256x4xf32>
    %dot_general3A_86 = arith.constant dense<0.000000e+00> : vector<256x1024xf32>
    %dot_general3A_87 = tpu.matmul %get3A_85, %get3A_71, %dot_general3A_86 {dimension_numbers = #tpu.dot_dimension_numbers<[1], [0], [0], [1], [0, 0, 1, 1], [], []>, transpose_lhs_hint = false} : vector<256x4xf32>, vector<4x1024xf32>, vector<256x1024xf32> -> vector<256x1024xf32>
    %add3A_88 = arith.addf %add3A_82, %dot_general3A_87 : vector<256x1024xf32>
    %get3A_89 = arith.constant 0 : index
    %get3A_90 = arith.constant 0 : index
    %get3A_91 = vector.load %arg23[%get3A_89, %get3A_90] : memref<256x1xf32, #tpu.memory_space<vmem>>, vector<256x1xf32>
    %add3A_92 = vector.broadcast %get3A_91 : vector<256x1xf32> to vector<256x1024xf32>
    %add3A_93 = arith.addf %add3A_88, %add3A_92 : vector<256x1024xf32>
    %gt3A_94 = arith.constant 0.000000e+00 : f32
    %gt3A_95 = vector.broadcast %gt3A_94 : f32 to vector<256x1024xf32>
    %gt3A_96 = arith.cmpf ogt, %add3A_93, %gt3A_95 : vector<256x1024xf32>
    %mul3A_97 = arith.constant 0.00999999977 : f32
    %mul3A_98 = vector.broadcast %mul3A_97 : f32 to vector<256x1024xf32>
    %mul3A_99 = arith.mulf %mul3A_98, %add3A_93 : vector<256x1024xf32>
    %select_n3A_100 = arith.select %gt3A_96, %add3A_93, %mul3A_99 : vector<256x1024xi1>, vector<256x1024xf32>
    %get3A_101 = arith.constant 0 : index
    %get3A_102 = arith.constant 0 : index
    %get3A_103 = vector.load %arg24[%get3A_101, %get3A_102] : memref<256x256xf32, #tpu.memory_space<vmem>>, vector<256x256xf32>
    %dot_general3A_104 = arith.constant dense<0.000000e+00> : vector<256x1024xf32>
    %dot_general3A_105 = tpu.matmul %get3A_103, %select_n3A_100, %dot_general3A_104 {dimension_numbers = #tpu.dot_dimension_numbers<[1], [0], [0], [1], [0, 0, 1, 1], [], []>, transpose_lhs_hint = false} : vector<256x256xf32>, vector<256x1024xf32>, vector<256x1024xf32> -> vector<256x1024xf32>
    %get3A_106 = arith.constant 0 : index
    %get3A_107 = arith.constant 0 : index
    %get3A_108 = vector.load %arg25[%get3A_106, %get3A_107] : memref<256x1xf32, #tpu.memory_space<vmem>>, vector<256x1xf32>
    %add3A_109 = vector.broadcast %get3A_108 : vector<256x1xf32> to vector<256x1024xf32>
    %add3A_110 = arith.addf %dot_general3A_105, %add3A_109 : vector<256x1024xf32>
    %gt3A_111 = arith.constant 0.000000e+00 : f32
    %gt3A_112 = vector.broadcast %gt3A_111 : f32 to vector<256x1024xf32>
    %gt3A_113 = arith.cmpf ogt, %add3A_110, %gt3A_112 : vector<256x1024xf32>
    %mul3A_114 = arith.constant 0.00999999977 : f32
    %mul3A_115 = vector.broadcast %mul3A_114 : f32 to vector<256x1024xf32>
    %mul3A_116 = arith.mulf %mul3A_115, %add3A_110 : vector<256x1024xf32>
    %select_n3A_117 = arith.select %gt3A_113, %add3A_110, %mul3A_116 : vector<256x1024xi1>, vector<256x1024xf32>
    %get3A_118 = arith.constant 0 : index
    %get3A_119 = arith.constant 0 : index
    %get3A_120 = vector.load %arg14[%get3A_118, %get3A_119] : memref<256x256xf32, #tpu.memory_space<vmem>>, vector<256x256xf32>
    %dot_general3A_121 = arith.constant dense<0.000000e+00> : vector<256x1024xf32>
    %dot_general3A_122 = tpu.matmul %get3A_120, %get3A_3, %dot_general3A_121 {dimension_numbers = #tpu.dot_dimension_numbers<[1], [0], [0], [1], [0, 0, 1, 1], [], []>, transpose_lhs_hint = false} : vector<256x256xf32>, vector<256x1024xf32>, vector<256x1024xf32> -> vector<256x1024xf32>
    %get3A_123 = arith.constant 0 : index
    %get3A_124 = arith.constant 0 : index
    %get3A_125 = vector.load %arg15[%get3A_123, %get3A_124] : memref<256x256xf32, #tpu.memory_space<vmem>>, vector<256x256xf32>
    %dot_general3A_126 = arith.constant dense<0.000000e+00> : vector<256x1024xf32>
    %dot_general3A_127 = tpu.matmul %get3A_125, %concatenate3A, %dot_general3A_126 {dimension_numbers = #tpu.dot_dimension_numbers<[1], [0], [0], [1], [0, 0, 1, 1], [], []>, transpose_lhs_hint = false} : vector<256x256xf32>, vector<256x1024xf32>, vector<256x1024xf32> -> vector<256x1024xf32>
    %add3A_128 = arith.addf %dot_general3A_122, %dot_general3A_127 : vector<256x1024xf32>
    %get3A_129 = arith.constant 0 : index
    %get3A_130 = arith.constant 0 : index
    %get3A_131 = vector.load %arg16[%get3A_129, %get3A_130] : memref<256x4xf32, #tpu.memory_space<vmem>>, vector<256x4xf32>
    %dot_general3A_132 = arith.constant dense<0.000000e+00> : vector<256x1024xf32>
    %dot_general3A_133 = tpu.matmul %get3A_131, %concatenate3A_22, %dot_general3A_132 {dimension_numbers = #tpu.dot_dimension_numbers<[1], [0], [0], [1], [0, 0, 1, 1], [], []>, transpose_lhs_hint = false} : vector<256x4xf32>, vector<4x1024xf32>, vector<256x1024xf32> -> vector<256x1024xf32>
    %add3A_134 = arith.addf %add3A_128, %dot_general3A_133 : vector<256x1024xf32>
    %get3A_135 = arith.constant 0 : index
    %get3A_136 = arith.constant 0 : index
    %get3A_137 = vector.load %arg17[%get3A_135, %get3A_136] : memref<256x1xf32, #tpu.memory_space<vmem>>, vector<256x1xf32>
    %add3A_138 = vector.broadcast %get3A_137 : vector<256x1xf32> to vector<256x1024xf32>
    %add3A_139 = arith.addf %add3A_134, %add3A_138 : vector<256x1024xf32>
    %gt3A_140 = arith.constant 0.000000e+00 : f32
    %gt3A_141 = vector.broadcast %gt3A_140 : f32 to vector<256x1024xf32>
    %gt3A_142 = arith.cmpf ogt, %add3A_139, %gt3A_141 : vector<256x1024xf32>
    %mul3A_143 = arith.constant 0.00999999977 : f32
    %mul3A_144 = vector.broadcast %mul3A_143 : f32 to vector<256x1024xf32>
    %mul3A_145 = arith.mulf %mul3A_144, %add3A_139 : vector<256x1024xf32>
    %select_n3A_146 = arith.select %gt3A_142, %add3A_139, %mul3A_145 : vector<256x1024xi1>, vector<256x1024xf32>
    %get3A_147 = arith.constant 0 : index
    %get3A_148 = arith.constant 0 : index
    %get3A_149 = vector.load %arg18[%get3A_147, %get3A_148] : memref<256x256xf32, #tpu.memory_space<vmem>>, vector<256x256xf32>
    %dot_general3A_150 = arith.constant dense<0.000000e+00> : vector<256x1024xf32>
    %dot_general3A_151 = tpu.matmul %get3A_149, %select_n3A_146, %dot_general3A_150 {dimension_numbers = #tpu.dot_dimension_numbers<[1], [0], [0], [1], [0, 0, 1, 1], [], []>, transpose_lhs_hint = false} : vector<256x256xf32>, vector<256x1024xf32>, vector<256x1024xf32> -> vector<256x1024xf32>
    %get3A_152 = arith.constant 0 : index
    %get3A_153 = arith.constant 0 : index
    %get3A_154 = vector.load %arg19[%get3A_152, %get3A_153] : memref<256x1xf32, #tpu.memory_space<vmem>>, vector<256x1xf32>
    %add3A_155 = vector.broadcast %get3A_154 : vector<256x1xf32> to vector<256x1024xf32>
    %add3A_156 = arith.addf %dot_general3A_151, %add3A_155 : vector<256x1024xf32>
    %gt3A_157 = arith.constant 0.000000e+00 : f32
    %gt3A_158 = vector.broadcast %gt3A_157 : f32 to vector<256x1024xf32>
    %gt3A_159 = arith.cmpf ogt, %add3A_156, %gt3A_158 : vector<256x1024xf32>
    %mul3A_160 = arith.constant 0.00999999977 : f32
    %mul3A_161 = vector.broadcast %mul3A_160 : f32 to vector<256x1024xf32>
    %mul3A_162 = arith.mulf %mul3A_161, %add3A_156 : vector<256x1024xf32>
    %select_n3A_163 = arith.select %gt3A_159, %add3A_156, %mul3A_162 : vector<256x1024xi1>, vector<256x1024xf32>
    %get3A_164 = arith.constant 0 : index
    %get3A_165 = arith.constant 0 : index
    %get3A_166 = vector.load %arg26[%get3A_164, %get3A_165] : memref<256x256xf32, #tpu.memory_space<vmem>>, vector<256x256xf32>
    %dot_general3A_167 = arith.constant dense<0.000000e+00> : vector<256x1024xf32>
    %dot_general3A_168 = tpu.matmul %get3A_166, %get3A_3, %dot_general3A_167 {dimension_numbers = #tpu.dot_dimension_numbers<[1], [0], [0], [1], [0, 0, 1, 1], [], []>, transpose_lhs_hint = false} : vector<256x256xf32>, vector<256x1024xf32>, vector<256x1024xf32> -> vector<256x1024xf32>
    %get3A_169 = arith.constant 0 : index
    %get3A_170 = arith.constant 0 : index
    %get3A_171 = vector.load %arg27[%get3A_169, %get3A_170] : memref<256x256xf32, #tpu.memory_space<vmem>>, vector<256x256xf32>
    %dot_general3A_172 = arith.constant dense<0.000000e+00> : vector<256x1024xf32>
    %dot_general3A_173 = tpu.matmul %get3A_171, %concatenate3A_13, %dot_general3A_172 {dimension_numbers = #tpu.dot_dimension_numbers<[1], [0], [0], [1], [0, 0, 1, 1], [], []>, transpose_lhs_hint = false} : vector<256x256xf32>, vector<256x1024xf32>, vector<256x1024xf32> -> vector<256x1024xf32>
    %add3A_174 = arith.addf %dot_general3A_168, %dot_general3A_173 : vector<256x1024xf32>
    %get3A_175 = arith.constant 0 : index
    %get3A_176 = arith.constant 0 : index
    %get3A_177 = vector.load %arg28[%get3A_175, %get3A_176] : memref<256x4xf32, #tpu.memory_space<vmem>>, vector<256x4xf32>
    %dot_general3A_178 = arith.constant dense<0.000000e+00> : vector<256x1024xf32>
    %dot_general3A_179 = tpu.matmul %get3A_177, %concatenate3A_31, %dot_general3A_178 {dimension_numbers = #tpu.dot_dimension_numbers<[1], [0], [0], [1], [0, 0, 1, 1], [], []>, transpose_lhs_hint = false} : vector<256x4xf32>, vector<4x1024xf32>, vector<256x1024xf32> -> vector<256x1024xf32>
    %add3A_180 = arith.addf %add3A_174, %dot_general3A_179 : vector<256x1024xf32>
    %get3A_181 = arith.constant 0 : index
    %get3A_182 = arith.constant 0 : index
    %get3A_183 = vector.load %arg29[%get3A_181, %get3A_182] : memref<256x1xf32, #tpu.memory_space<vmem>>, vector<256x1xf32>
    %add3A_184 = vector.broadcast %get3A_183 : vector<256x1xf32> to vector<256x1024xf32>
    %add3A_185 = arith.addf %add3A_180, %add3A_184 : vector<256x1024xf32>
    %gt3A_186 = arith.constant 0.000000e+00 : f32
    %gt3A_187 = vector.broadcast %gt3A_186 : f32 to vector<256x1024xf32>
    %gt3A_188 = arith.cmpf ogt, %add3A_185, %gt3A_187 : vector<256x1024xf32>
    %mul3A_189 = arith.constant 0.00999999977 : f32
    %mul3A_190 = vector.broadcast %mul3A_189 : f32 to vector<256x1024xf32>
    %mul3A_191 = arith.mulf %mul3A_190, %add3A_185 : vector<256x1024xf32>
    %select_n3A_192 = arith.select %gt3A_188, %add3A_185, %mul3A_191 : vector<256x1024xi1>, vector<256x1024xf32>
    %get3A_193 = arith.constant 0 : index
    %get3A_194 = arith.constant 0 : index
    %get3A_195 = vector.load %arg30[%get3A_193, %get3A_194] : memref<256x256xf32, #tpu.memory_space<vmem>>, vector<256x256xf32>
    %dot_general3A_196 = arith.constant dense<0.000000e+00> : vector<256x1024xf32>
    %dot_general3A_197 = tpu.matmul %get3A_195, %select_n3A_192, %dot_general3A_196 {dimension_numbers = #tpu.dot_dimension_numbers<[1], [0], [0], [1], [0, 0, 1, 1], [], []>, transpose_lhs_hint = false} : vector<256x256xf32>, vector<256x1024xf32>, vector<256x1024xf32> -> vector<256x1024xf32>
    %get3A_198 = arith.constant 0 : index
    %get3A_199 = arith.constant 0 : index
    %get3A_200 = vector.load %arg31[%get3A_198, %get3A_199] : memref<256x1xf32, #tpu.memory_space<vmem>>, vector<256x1xf32>
    %add3A_201 = vector.broadcast %get3A_200 : vector<256x1xf32> to vector<256x1024xf32>
    %add3A_202 = arith.addf %dot_general3A_197, %add3A_201 : vector<256x1024xf32>
    %gt3A_203 = arith.constant 0.000000e+00 : f32
    %gt3A_204 = vector.broadcast %gt3A_203 : f32 to vector<256x1024xf32>
    %gt3A_205 = arith.cmpf ogt, %add3A_202, %gt3A_204 : vector<256x1024xf32>
    %mul3A_206 = arith.constant 0.00999999977 : f32
    %mul3A_207 = vector.broadcast %mul3A_206 : f32 to vector<256x1024xf32>
    %mul3A_208 = arith.mulf %mul3A_207, %add3A_202 : vector<256x1024xf32>
    %select_n3A_209 = arith.select %gt3A_205, %add3A_202, %mul3A_208 : vector<256x1024xi1>, vector<256x1024xf32>
    %lt3A_210 = arith.constant 49999 : i32
    %lt3A_211 = vector.broadcast %lt3A_210 : i32 to vector<1x1024xi32>
    %lt3A_212 = arith.cmpi slt, %add3A_1, %lt3A_211 : vector<1x1024xi32>
    %jit3A_213 = arith.constant 0.000000e+00 : f32
    %broadcast_in_dim3A_214 = vector.shape_cast %lt3A_212 : vector<1x1024xi1> to vector<1x1024xi1>
    %broadcast_in_dim3A_215 = vector.broadcast %broadcast_in_dim3A_214 : vector<1x1024xi1> to vector<256x1024xi1>
    %broadcast_in_dim3A_216 = vector.broadcast %jit3A_213 : f32 to vector<256x1024xf32>
    %select_n3A_217 = arith.select %broadcast_in_dim3A_215, %select_n3A_163, %broadcast_in_dim3A_216 : vector<256x1024xi1>, vector<256x1024xf32>
    %add3A_218 = arith.addf %select_n3A_117, %select_n3A_217 : vector<256x1024xf32>
    %gt3A_219 = arith.constant 0 : i32
    %gt3A_220 = vector.broadcast %gt3A_219 : i32 to vector<1x1024xi32>
    %gt3A_221 = arith.cmpi sgt, %add3A_1, %gt3A_220 : vector<1x1024xi32>
    %jit3A_222 = arith.constant 0.000000e+00 : f32
    %broadcast_in_dim3A_223 = vector.shape_cast %gt3A_221 : vector<1x1024xi1> to vector<1x1024xi1>
    %broadcast_in_dim3A_224 = vector.broadcast %broadcast_in_dim3A_223 : vector<1x1024xi1> to vector<256x1024xi1>
    %broadcast_in_dim3A_225 = vector.broadcast %jit3A_222 : f32 to vector<256x1024xf32>
    %select_n3A_226 = arith.select %broadcast_in_dim3A_224, %select_n3A_209, %broadcast_in_dim3A_225 : vector<256x1024xi1>, vector<256x1024xf32>
    %add3A_227 = arith.addf %add3A_218, %select_n3A_226 : vector<256x1024xf32>
    %get3A_228 = arith.constant 0 : index
    %get3A_229 = arith.constant 0 : index
    %get3A_230 = vector.load %arg32[%get3A_228, %get3A_229] : memref<256x256xf32, #tpu.memory_space<vmem>>, vector<256x256xf32>
    %dot_general3A_231 = arith.constant dense<0.000000e+00> : vector<256x1024xf32>
    %dot_general3A_232 = tpu.matmul %get3A_230, %add3A_227, %dot_general3A_231 {dimension_numbers = #tpu.dot_dimension_numbers<[1], [0], [0], [1], [0, 0, 1, 1], [], []>, transpose_lhs_hint = false} : vector<256x256xf32>, vector<256x1024xf32>, vector<256x1024xf32> -> vector<256x1024xf32>
    %get3A_233 = arith.constant 0 : index
    %get3A_234 = arith.constant 0 : index
    %get3A_235 = vector.load %arg33[%get3A_233, %get3A_234] : memref<256x1xf32, #tpu.memory_space<vmem>>, vector<256x1xf32>
    %add3A_236 = vector.broadcast %get3A_235 : vector<256x1xf32> to vector<256x1024xf32>
    %add3A_237 = arith.addf %dot_general3A_232, %add3A_236 : vector<256x1024xf32>
    %swap3A = arith.constant 0 : index
    %swap3A_238 = arith.constant 0 : index
    %swap3A_239 = vector.load %arg34[%swap3A, %swap3A_238] : memref<256x1024xf32, #tpu.memory_space<vmem>>, vector<256x1024xf32>
    tpu.vector_store %arg34[%swap3A, %swap3A_238], %add3A_237 {strides = array<i32>} : memref<256x1024xf32, #tpu.memory_space<vmem>>, vector<256x1024xf32>,
    %lt3A_240 = arith.constant 50000 : i32
    %lt3A_241 = vector.broadcast %lt3A_240 : i32 to vector<1x1024xi32>
    %lt3A_242 = arith.cmpi slt, %add3A_1, %lt3A_241 : vector<1x1024xi32>
    %jit3A_243 = arith.constant 0.000000e+00 : f32
    %broadcast_in_dim3A_244 = vector.shape_cast %lt3A_242 : vector<1x1024xi1> to vector<1x1024xi1>
    %broadcast_in_dim3A_245 = vector.broadcast %broadcast_in_dim3A_244 : vector<1x1024xi1> to vector<256x1024xi1>
    %broadcast_in_dim3A_246 = vector.broadcast %jit3A_243 : f32 to vector<256x1024xf32>
    %select_n3A_247 = arith.select %broadcast_in_dim3A_245, %add3A_237, %broadcast_in_dim3A_246 : vector<256x1024xi1>, vector<256x1024xf32>
    %reduce_sum3A = arith.constant dense<0.000000e+00> : vector<256xf32>
    %reduce_sum3A_248 = vector.multi_reduction <add>, %select_n3A_247, %reduce_sum3A [1] : vector<256x1024xf32> to vector<256xf32>
    %mul3A_249 = arith.mulf %select_n3A_247, %select_n3A_247 : vector<256x1024xf32>
    %reduce_sum3A_250 = arith.constant dense<0.000000e+00> : vector<256xf32>
    %reduce_sum3A_251 = vector.multi_reduction <add>, %mul3A_249, %reduce_sum3A_250 [1] : vector<256x1024xf32> to vector<256xf32>
    %broadcast_in_dim3A_252 = arith.constant 0.000000e+00 : f32
    %broadcast_in_dim3A_253 = vector.broadcast %broadcast_in_dim3A_252 : f32 to vector<256xf32>
    %stack3A = vector.shape_cast %reduce_sum3A_248 : vector<256xf32> to vector<1x256xf32>
    %stack3A_254 = vector.shape_cast %reduce_sum3A_251 : vector<256xf32> to vector<1x256xf32>
    %stack3A_255 = vector.shape_cast %broadcast_in_dim3A_253 : vector<256xf32> to vector<1x256xf32>
    %stack3A_256 = vector.shape_cast %broadcast_in_dim3A_253 : vector<256xf32> to vector<1x256xf32>
    %stack3A_257 = vector.shape_cast %broadcast_in_dim3A_253 : vector<256xf32> to vector<1x256xf32>
    %stack3A_258 = vector.shape_cast %broadcast_in_dim3A_253 : vector<256xf32> to vector<1x256xf32>
    %stack3A_259 = vector.shape_cast %broadcast_in_dim3A_253 : vector<256xf32> to vector<1x256xf32>
    %stack3A_260 = vector.shape_cast %broadcast_in_dim3A_253 : vector<256xf32> to vector<1x256xf32>
    %stack3A_261 = tpu.concatenate %stack3A, %stack3A_254, %stack3A_255, %stack3A_256, %stack3A_257, %stack3A_258, %stack3A_259, %stack3A_260 in 0 : vector<1x256xf32>, vector<1x256xf32>, vector<1x256xf32>, vector<1x256xf32>, vector<1x256xf32>, vector<1x256xf32>, vector<1x256xf32>, vector<1x256xf32> -> vector<8x256xf32>
    %eq3A = arith.constant 0 : i32
    %eq3A_262 = arith.cmpi eq, %arg0, %eq3A : i32
    %convert_element_type3A = arith.extui %eq3A_262 : i1 to i32
    %cond3A = arith.constant 0 : i32
    %cond3A_263 = arith.cmpi ne, %convert_element_type3A, %cond3A : i32
    scf.if %cond3A_263 {
      %swap3A_268 = arith.constant 0 : index
      %swap3A_269 = arith.constant 0 : index
      %swap3A_270 = vector.load %arg35[%swap3A_268, %swap3A_269] : memref<8x256xf32, #tpu.memory_space<vmem>>, vector<8x256xf32>
      tpu.vector_store %arg35[%swap3A_268, %swap3A_269], %stack3A_261 {strides = array<i32>} : memref<8x256xf32, #tpu.memory_space<vmem>>, vector<8x256xf32>,
    } else {
    }
    %ne3A = arith.constant 0 : i32
    %ne3A_264 = arith.cmpi ne, %arg0, %ne3A : i32
    %convert_element_type3A_265 = arith.extui %ne3A_264 : i1 to i32
    %cond3A_266 = arith.constant 0 : i32
    %cond3A_267 = arith.cmpi ne, %convert_element_type3A_265, %cond3A_266 : i32
    scf.if %cond3A_267 {
      %get3A_268 = arith.constant 0 : index
      %get3A_269 = arith.constant 0 : index
      %get3A_270 = vector.load %arg35[%get3A_268, %get3A_269] : memref<8x256xf32, #tpu.memory_space<vmem>>, vector<8x256xf32>
      %add3A_271 = arith.addf %get3A_270, %stack3A_261 : vector<8x256xf32>
      %swap3A_272 = arith.constant 0 : index
      %swap3A_273 = arith.constant 0 : index
      %swap3A_274 = vector.load %arg35[%swap3A_272, %swap3A_273] : memref<8x256xf32, #tpu.memory_space<vmem>>, vector<8x256xf32>
      tpu.vector_store %arg35[%swap3A_272, %swap3A_273], %add3A_271 {strides = array<i32>} : memref<8x256xf32, #tpu.memory_space<vmem>>, vector<8x256xf32>,
    } else {
    }
    return
  }
  func.func @transform_0(%arg0: i32) -> (i32, i32) {
    %c0_i32 = arith.constant 0 : i32
    %c0_i32_0 = arith.constant 0 : i32
    return %c0_i32, %arg0 : i32, i32
  }
  func.func @transform_1(%arg0: i32) -> (i32, i32) {
    %add3A = arith.constant 1 : i32
    %add3A_0 = arith.addi %arg0, %add3A : i32
    %min3A = arith.constant 48 : i32
    %min3A_1 = arith.minsi %add3A_0, %min3A : i32
    %c0_i32 = arith.constant 0 : i32
    %c0_i32_2 = arith.constant 0 : i32
    return %c0_i32, %min3A_1 : i32, i32
  }
  func.func @transform_2(%arg0: i32) -> (i32, i32) {
    %sub3A = arith.constant 1 : i32
    %sub3A_0 = arith.subi %arg0, %sub3A : i32
    %max3A = arith.constant 0 : i32
    %max3A_1 = arith.maxsi %sub3A_0, %max3A : i32
    %c0_i32 = arith.constant 0 : i32
    %c0_i32_2 = arith.constant 0 : i32
    return %c0_i32, %max3A_1 : i32, i32
  }
  func.func @transform_3(%arg0: i32) -> (i32, i32) {
    %c0_i32 = arith.constant 0 : i32
    %c0_i32_0 = arith.constant 0 : i32
    return %c0_i32, %arg0 : i32, i32
  }
  func.func @transform_4(%arg0: i32) -> (i32, i32) {
    %add3A = arith.constant 1 : i32
    %add3A_0 = arith.addi %arg0, %add3A : i32
    %min3A = arith.constant 48 : i32
    %min3A_1 = arith.minsi %add3A_0, %min3A : i32
    %c0_i32 = arith.constant 0 : i32
    %c0_i32_2 = arith.constant 0 : i32
    return %c0_i32, %min3A_1 : i32, i32
  }
  func.func @transform_5(%arg0: i32) -> (i32, i32) {
    %sub3A = arith.constant 1 : i32
    %sub3A_0 = arith.subi %arg0, %sub3A : i32
    %max3A = arith.constant 0 : i32
    %max3A_1 = arith.maxsi %sub3A_0, %max3A : i32
    %c0_i32 = arith.constant 0 : i32
    %c0_i32_2 = arith.constant 0 : i32
    return %c0_i32, %max3A_1 : i32, i32
  }
  func.func @transform_6(%arg0: i32) -> (i32, i32) {
    %c0_i32 = arith.constant 0 : i32
    %c0_i32_0 = arith.constant 0 : i32
    return %c0_i32, %arg0 : i32, i32
  }
  func.func @transform_7(%arg0: i32) -> (i32, i32) {
    %add3A = arith.constant 1 : i32
    %add3A_0 = arith.addi %arg0, %add3A : i32
    %min3A = arith.constant 48 : i32
    %min3A_1 = arith.minsi %add3A_0, %min3A : i32
    %c0_i32 = arith.constant 0 : i32
    %c0_i32_2 = arith.constant 0 : i32
    return %c0_i32, %min3A_1 : i32, i32
  }
  func.func @transform_8(%arg0: i32) -> (i32, i32) {
    %c0_i32 = arith.constant 0 : i32
    %c0_i32_0 = arith.constant 0 : i32
    return %c0_i32, %arg0 : i32, i32
  }
  func.func @transform_9(%arg0: i32) -> (i32, i32) {
    %c0_i32 = arith.constant 0 : i32
    %c0_i32_0 = arith.constant 0 : i32
    return %c0_i32, %arg0 : i32, i32
  }
  func.func @transform_10(%arg0: i32) -> (i32, i32) {
    %sub3A = arith.constant 1 : i32
    %sub3A_0 = arith.subi %arg0, %sub3A : i32
    %max3A = arith.constant 0 : i32
    %max3A_1 = arith.maxsi %sub3A_0, %max3A : i32
    %c0_i32 = arith.constant 0 : i32
    %c0_i32_2 = arith.constant 0 : i32
    return %c0_i32, %max3A_1 : i32, i32
  }
  func.func @transform_11(%arg0: i32) -> (i32, i32) {
    %c0_i32 = arith.constant 0 : i32
    %c0_i32_0 = arith.constant 0 : i32
    %c0_i32_1 = arith.constant 0 : i32
    return %c0_i32, %c0_i32_0 : i32, i32
  }
  func.func @transform_12(%arg0: i32) -> (i32, i32) {
    %c0_i32 = arith.constant 0 : i32
    %c0_i32_0 = arith.constant 0 : i32
    %c0_i32_1 = arith.constant 0 : i32
    return %c0_i32, %c0_i32_0 : i32, i32
  }
  func.func @transform_13(%arg0: i32) -> (i32, i32) {
    %c0_i32 = arith.constant 0 : i32
    %c0_i32_0 = arith.constant 0 : i32
    %c0_i32_1 = arith.constant 0 : i32
    return %c0_i32, %c0_i32_0 : i32, i32
  }
  func.func @transform_14(%arg0: i32) -> (i32, i32) {
    %c0_i32 = arith.constant 0 : i32
    %c0_i32_0 = arith.constant 0 : i32
    %c0_i32_1 = arith.constant 0 : i32
    return %c0_i32, %c0_i32_0 : i32, i32
  }
  func.func @transform_15(%arg0: i32) -> (i32, i32) {
    %c0_i32 = arith.constant 0 : i32
    %c0_i32_0 = arith.constant 0 : i32
    %c0_i32_1 = arith.constant 0 : i32
    return %c0_i32, %c0_i32_0 : i32, i32
  }
  func.func @transform_16(%arg0: i32) -> (i32, i32) {
    %c0_i32 = arith.constant 0 : i32
    %c0_i32_0 = arith.constant 0 : i32
    %c0_i32_1 = arith.constant 0 : i32
    return %c0_i32, %c0_i32_0 : i32, i32
  }
  func.func @transform_17(%arg0: i32) -> (i32, i32) {
    %c0_i32 = arith.constant 0 : i32
    %c0_i32_0 = arith.constant 0 : i32
    %c0_i32_1 = arith.constant 0 : i32
    return %c0_i32, %c0_i32_0 : i32, i32
  }
  func.func @transform_18(%arg0: i32) -> (i32, i32) {
    %c0_i32 = arith.constant 0 : i32
    %c0_i32_0 = arith.constant 0 : i32
    %c0_i32_1 = arith.constant 0 : i32
    return %c0_i32, %c0_i32_0 : i32, i32
  }
  func.func @transform_19(%arg0: i32) -> (i32, i32) {
    %c0_i32 = arith.constant 0 : i32
    %c0_i32_0 = arith.constant 0 : i32
    %c0_i32_1 = arith.constant 0 : i32
    return %c0_i32, %c0_i32_0 : i32, i32
  }
  func.func @transform_20(%arg0: i32) -> (i32, i32) {
    %c0_i32 = arith.constant 0 : i32
    %c0_i32_0 = arith.constant 0 : i32
    %c0_i32_1 = arith.constant 0 : i32
    return %c0_i32, %c0_i32_0 : i32, i32
  }
  func.func @transform_21(%arg0: i32) -> (i32, i32) {
    %c0_i32 = arith.constant 0 : i32
    %c0_i32_0 = arith.constant 0 : i32
    %c0_i32_1 = arith.constant 0 : i32
    return %c0_i32, %c0_i32_0 : i32, i32
  }
  func.func @transform_22(%arg0: i32) -> (i32, i32) {
    %c0_i32 = arith.constant 0 : i32
    %c0_i32_0 = arith.constant 0 : i32
    %c0_i32_1 = arith.constant 0 : i32
    return %c0_i32, %c0_i32_0 : i32, i32
  }
  func.func @transform_23(%arg0: i32) -> (i32, i32) {
    %c0_i32 = arith.constant 0 : i32
    %c0_i32_0 = arith.constant 0 : i32
    %c0_i32_1 = arith.constant 0 : i32
    return %c0_i32, %c0_i32_0 : i32, i32
  }
  func.func @transform_24(%arg0: i32) -> (i32, i32) {
    %c0_i32 = arith.constant 0 : i32
    %c0_i32_0 = arith.constant 0 : i32
    %c0_i32_1 = arith.constant 0 : i32
    return %c0_i32, %c0_i32_0 : i32, i32
  }
  func.func @transform_25(%arg0: i32) -> (i32, i32) {
    %c0_i32 = arith.constant 0 : i32
    %c0_i32_0 = arith.constant 0 : i32
    %c0_i32_1 = arith.constant 0 : i32
    return %c0_i32, %c0_i32_0 : i32, i32
  }
  func.func @transform_26(%arg0: i32) -> (i32, i32) {
    %c0_i32 = arith.constant 0 : i32
    %c0_i32_0 = arith.constant 0 : i32
    %c0_i32_1 = arith.constant 0 : i32
    return %c0_i32, %c0_i32_0 : i32, i32
  }
  func.func @transform_27(%arg0: i32) -> (i32, i32) {
    %c0_i32 = arith.constant 0 : i32
    %c0_i32_0 = arith.constant 0 : i32
    %c0_i32_1 = arith.constant 0 : i32
    return %c0_i32, %c0_i32_0 : i32, i32
  }
  func.func @transform_28(%arg0: i32) -> (i32, i32) {
    %c0_i32 = arith.constant 0 : i32
    %c0_i32_0 = arith.constant 0 : i32
    %c0_i32_1 = arith.constant 0 : i32
    return %c0_i32, %c0_i32_0 : i32, i32
  }
  func.func @transform_29(%arg0: i32) -> (i32, i32) {
    %c0_i32 = arith.constant 0 : i32
    %c0_i32_0 = arith.constant 0 : i32
    %c0_i32_1 = arith.constant 0 : i32
    return %c0_i32, %c0_i32_0 : i32, i32
  }
  func.func @transform_30(%arg0: i32) -> (i32, i32) {
    %c0_i32 = arith.constant 0 : i32
    %c0_i32_0 = arith.constant 0 : i32
    %c0_i32_1 = arith.constant 0 : i32
    return %c0_i32, %c0_i32_0 : i32, i32
  }
  func.func @transform_31(%arg0: i32) -> (i32, i32) {
    %c0_i32 = arith.constant 0 : i32
    %c0_i32_0 = arith.constant 0 : i32
    %c0_i32_1 = arith.constant 0 : i32
    return %c0_i32, %c0_i32_0 : i32, i32
  }
  func.func @transform_32(%arg0: i32) -> (i32, i32) {
    %c0_i32 = arith.constant 0 : i32
    %c0_i32_0 = arith.constant 0 : i32
    %c0_i32_1 = arith.constant 0 : i32
    return %c0_i32, %c0_i32_0 : i32, i32
  }
  func.func @transform_33(%arg0: i32) -> (i32, i32) {
    %c0_i32 = arith.constant 0 : i32
    %c0_i32_0 = arith.constant 0 : i32
    return %c0_i32, %arg0 : i32, i32
  }
  func.func @transform_34(%arg0: i32) -> (i32, i32) {
    %c0_i32 = arith.constant 0 : i32
    %c0_i32_0 = arith.constant 0 : i32
    %c0_i32_1 = arith.constant 0 : i32
    return %c0_i32, %c0_i32_0 : i32, i32
  }
}

module attributes {stable_mosaic.version = 14 : i64} {
  func.func @_stage_b(%arg0: i32, %arg1: memref<256x1024xf32, #tpu.memory_space<vmem>>, %arg2: memref<256x1024xf32, #tpu.memory_space<vmem>>, %arg3: memref<256x1xf32, #tpu.memory_space<vmem>>, %arg4: memref<256x1xf32, #tpu.memory_space<vmem>>, %arg5: memref<768x256xf32, #tpu.memory_space<vmem>>, %arg6: memref<768x1xf32, #tpu.memory_space<vmem>>, %arg7: memref<768x256xf32, #tpu.memory_space<vmem>>, %arg8: memref<768x1xf32, #tpu.memory_space<vmem>>, %arg9: memref<256x256xf32, #tpu.memory_space<vmem>>, %arg10: memref<256x1xf32, #tpu.memory_space<vmem>>, %arg11: memref<256x1024xf32, #tpu.memory_space<vmem>>, %arg12: memref<256x1024xf32, #tpu.memory_space<vmem>>, %arg13: memref<8x256xf32, #tpu.memory_space<vmem>>) attributes {dimension_semantics = [#tpu.dimension_semantics<arbitrary>], iteration_bounds = array<i64: 49>, scalar_prefetch = 0 : i64, scratch_operands = 0 : i64, tpu.core_type = #tpu.core_type<tc>, window_params = [{transform_indices = @transform_0, window_bounds = array<i64: 256, 1024>}, {transform_indices = @transform_1, window_bounds = array<i64: 256, 1024>}, {pipeline_mode = #tpu.pipeline_mode<synchronous>, transform_indices = @transform_2, window_bounds = array<i64: 256, 1>}, {pipeline_mode = #tpu.pipeline_mode<synchronous>, transform_indices = @transform_3, window_bounds = array<i64: 256, 1>}, {pipeline_mode = #tpu.pipeline_mode<synchronous>, transform_indices = @transform_4, window_bounds = array<i64: 768, 256>}, {pipeline_mode = #tpu.pipeline_mode<synchronous>, transform_indices = @transform_5, window_bounds = array<i64: 768, 1>}, {pipeline_mode = #tpu.pipeline_mode<synchronous>, transform_indices = @transform_6, window_bounds = array<i64: 768, 256>}, {pipeline_mode = #tpu.pipeline_mode<synchronous>, transform_indices = @transform_7, window_bounds = array<i64: 768, 1>}, {pipeline_mode = #tpu.pipeline_mode<synchronous>, transform_indices = @transform_8, window_bounds = array<i64: 256, 256>}, {pipeline_mode = #tpu.pipeline_mode<synchronous>, transform_indices = @transform_9, window_bounds = array<i64: 256, 1>}, {transform_indices = @transform_10, window_bounds = array<i64: 256, 1024>}, {transform_indices = @transform_11, window_bounds = array<i64: 256, 1024>}, {pipeline_mode = #tpu.pipeline_mode<synchronous>, transform_indices = @transform_12, window_bounds = array<i64: 8, 256>}]} {
    %get3A = arith.constant 0 : index
    %get3A_0 = arith.constant 0 : index
    %get3A_1 = vector.load %arg2[%get3A, %get3A_0] : memref<256x1024xf32, #tpu.memory_space<vmem>>, vector<256x1024xf32>
    %get3A_2 = arith.constant 0 : index
    %get3A_3 = arith.constant 0 : index
    %get3A_4 = vector.load %arg1[%get3A_2, %get3A_3] : memref<256x1024xf32, #tpu.memory_space<vmem>>, vector<256x1024xf32>
    %get3A_5 = arith.constant 0 : index
    %get3A_6 = arith.constant 0 : index
    %get3A_7 = vector.load %arg3[%get3A_5, %get3A_6] : memref<256x1xf32, #tpu.memory_space<vmem>>, vector<256x1xf32>
    %mul3A = vector.broadcast %get3A_7 : vector<256x1xf32> to vector<256x1024xf32>
    %mul3A_8 = arith.mulf %get3A_4, %mul3A : vector<256x1024xf32>
    %get3A_9 = arith.constant 0 : index
    %get3A_10 = arith.constant 0 : index
    %get3A_11 = vector.load %arg4[%get3A_9, %get3A_10] : memref<256x1xf32, #tpu.memory_space<vmem>>, vector<256x1xf32>
    %add3A = vector.broadcast %get3A_11 : vector<256x1xf32> to vector<256x1024xf32>
    %add3A_12 = arith.addf %mul3A_8, %add3A : vector<256x1024xf32>
    %gt3A = arith.constant 0.000000e+00 : f32
    %gt3A_13 = vector.broadcast %gt3A : f32 to vector<256x1024xf32>
    %gt3A_14 = arith.cmpf ogt, %add3A_12, %gt3A_13 : vector<256x1024xf32>
    %mul3A_15 = arith.constant 0.00999999977 : f32
    %mul3A_16 = vector.broadcast %mul3A_15 : f32 to vector<256x1024xf32>
    %mul3A_17 = arith.mulf %mul3A_16, %add3A_12 : vector<256x1024xf32>
    %select_n3A = arith.select %gt3A_14, %add3A_12, %mul3A_17 : vector<256x1024xi1>, vector<256x1024xf32>
    %get3A_18 = arith.constant 0 : index
    %get3A_19 = arith.constant 0 : index
    %get3A_20 = vector.load %arg5[%get3A_18, %get3A_19] : memref<768x256xf32, #tpu.memory_space<vmem>>, vector<768x256xf32>
    %dot_general3A = arith.constant dense<0.000000e+00> : vector<768x1024xf32>
    %dot_general3A_21 = tpu.matmul %get3A_20, %select_n3A, %dot_general3A {dimension_numbers = #tpu.dot_dimension_numbers<[1], [0], [0], [1], [0, 0, 1, 1], [], []>, transpose_lhs_hint = false} : vector<768x256xf32>, vector<256x1024xf32>, vector<768x1024xf32> -> vector<768x1024xf32>
    %get3A_22 = arith.constant 0 : index
    %get3A_23 = arith.constant 0 : index
    %get3A_24 = vector.load %arg6[%get3A_22, %get3A_23] : memref<768x1xf32, #tpu.memory_space<vmem>>, vector<768x1xf32>
    %add3A_25 = vector.broadcast %get3A_24 : vector<768x1xf32> to vector<768x1024xf32>
    %add3A_26 = arith.addf %dot_general3A_21, %add3A_25 : vector<768x1024xf32>
    %get3A_27 = arith.constant 0 : index
    %get3A_28 = arith.constant 0 : index
    %get3A_29 = vector.load %arg7[%get3A_27, %get3A_28] : memref<768x256xf32, #tpu.memory_space<vmem>>, vector<768x256xf32>
    %dot_general3A_30 = arith.constant dense<0.000000e+00> : vector<768x1024xf32>
    %dot_general3A_31 = tpu.matmul %get3A_29, %get3A_1, %dot_general3A_30 {dimension_numbers = #tpu.dot_dimension_numbers<[1], [0], [0], [1], [0, 0, 1, 1], [], []>, transpose_lhs_hint = false} : vector<768x256xf32>, vector<256x1024xf32>, vector<768x1024xf32> -> vector<768x1024xf32>
    %get3A_32 = arith.constant 0 : index
    %get3A_33 = arith.constant 0 : index
    %get3A_34 = vector.load %arg8[%get3A_32, %get3A_33] : memref<768x1xf32, #tpu.memory_space<vmem>>, vector<768x1xf32>
    %add3A_35 = vector.broadcast %get3A_34 : vector<768x1xf32> to vector<768x1024xf32>
    %add3A_36 = arith.addf %dot_general3A_31, %add3A_35 : vector<768x1024xf32>
    %slice3A = vector.extract_strided_slice %add3A_26 {offsets = [0, 0], sizes = [256, 1024], strides = [1, 1]} : vector<768x1024xf32> to vector<256x1024xf32>
    %slice3A_37 = vector.extract_strided_slice %add3A_36 {offsets = [0, 0], sizes = [256, 1024], strides = [1, 1]} : vector<768x1024xf32> to vector<256x1024xf32>
    %add3A_38 = arith.addf %slice3A, %slice3A_37 : vector<256x1024xf32>
    %logistic3A = arith.negf %add3A_38 : vector<256x1024xf32>
    %logistic3A_39 = math.exp %logistic3A : vector<256x1024xf32>
    %logistic3A_40 = arith.constant 1.000000e+00 : f32
    %logistic3A_41 = vector.broadcast %logistic3A_40 : f32 to vector<256x1024xf32>
    %logistic3A_42 = arith.addf %logistic3A_41, %logistic3A_39 : vector<256x1024xf32>
    %logistic3A_43 = arith.divf %logistic3A_41, %logistic3A_42 : vector<256x1024xf32>
    %slice3A_44 = vector.extract_strided_slice %add3A_26 {offsets = [256, 0], sizes = [256, 1024], strides = [1, 1]} : vector<768x1024xf32> to vector<256x1024xf32>
    %slice3A_45 = vector.extract_strided_slice %add3A_36 {offsets = [256, 0], sizes = [256, 1024], strides = [1, 1]} : vector<768x1024xf32> to vector<256x1024xf32>
    %add3A_46 = arith.addf %slice3A_44, %slice3A_45 : vector<256x1024xf32>
    %logistic3A_47 = arith.negf %add3A_46 : vector<256x1024xf32>
    %logistic3A_48 = math.exp %logistic3A_47 : vector<256x1024xf32>
    %logistic3A_49 = arith.constant 1.000000e+00 : f32
    %logistic3A_50 = vector.broadcast %logistic3A_49 : f32 to vector<256x1024xf32>
    %logistic3A_51 = arith.addf %logistic3A_50, %logistic3A_48 : vector<256x1024xf32>
    %logistic3A_52 = arith.divf %logistic3A_50, %logistic3A_51 : vector<256x1024xf32>
    %slice3A_53 = vector.extract_strided_slice %add3A_26 {offsets = [512, 0], sizes = [256, 1024], strides = [1, 1]} : vector<768x1024xf32> to vector<256x1024xf32>
    %slice3A_54 = vector.extract_strided_slice %add3A_36 {offsets = [512, 0], sizes = [256, 1024], strides = [1, 1]} : vector<768x1024xf32> to vector<256x1024xf32>
    %mul3A_55 = arith.mulf %logistic3A_43, %slice3A_54 : vector<256x1024xf32>
    %add3A_56 = arith.addf %slice3A_53, %mul3A_55 : vector<256x1024xf32>
    %tanh3A = math.tanh %add3A_56 : vector<256x1024xf32>
    %sub3A = arith.constant 1.000000e+00 : f32
    %sub3A_57 = vector.broadcast %sub3A : f32 to vector<256x1024xf32>
    %sub3A_58 = arith.subf %sub3A_57, %logistic3A_52 : vector<256x1024xf32>
    %mul3A_59 = arith.mulf %sub3A_58, %tanh3A : vector<256x1024xf32>
    %mul3A_60 = arith.mulf %logistic3A_52, %get3A_1 : vector<256x1024xf32>
    %add3A_61 = arith.addf %mul3A_59, %mul3A_60 : vector<256x1024xf32>
    %swap3A = arith.constant 0 : index
    %swap3A_62 = arith.constant 0 : index
    %swap3A_63 = vector.load %arg11[%swap3A, %swap3A_62] : memref<256x1024xf32, #tpu.memory_space<vmem>>, vector<256x1024xf32>
    tpu.vector_store %arg11[%swap3A, %swap3A_62], %add3A_61 {strides = array<i32>} : memref<256x1024xf32, #tpu.memory_space<vmem>>, vector<256x1024xf32>,
    %get3A_64 = arith.constant 0 : index
    %get3A_65 = arith.constant 0 : index
    %get3A_66 = vector.load %arg9[%get3A_64, %get3A_65] : memref<256x256xf32, #tpu.memory_space<vmem>>, vector<256x256xf32>
    %dot_general3A_67 = arith.constant dense<0.000000e+00> : vector<256x1024xf32>
    %dot_general3A_68 = tpu.matmul %get3A_66, %add3A_61, %dot_general3A_67 {dimension_numbers = #tpu.dot_dimension_numbers<[1], [0], [0], [1], [0, 0, 1, 1], [], []>, transpose_lhs_hint = false} : vector<256x256xf32>, vector<256x1024xf32>, vector<256x1024xf32> -> vector<256x1024xf32>
    %get3A_69 = arith.constant 0 : index
    %get3A_70 = arith.constant 0 : index
    %get3A_71 = vector.load %arg10[%get3A_69, %get3A_70] : memref<256x1xf32, #tpu.memory_space<vmem>>, vector<256x1xf32>
    %add3A_72 = vector.broadcast %get3A_71 : vector<256x1xf32> to vector<256x1024xf32>
    %add3A_73 = arith.addf %dot_general3A_68, %add3A_72 : vector<256x1024xf32>
    %swap3A_74 = arith.constant 0 : index
    %swap3A_75 = arith.constant 0 : index
    %swap3A_76 = vector.load %arg12[%swap3A_74, %swap3A_75] : memref<256x1024xf32, #tpu.memory_space<vmem>>, vector<256x1024xf32>
    tpu.vector_store %arg12[%swap3A_74, %swap3A_75], %add3A_73 {strides = array<i32>} : memref<256x1024xf32, #tpu.memory_space<vmem>>, vector<256x1024xf32>,
    %mul3A_77 = arith.constant 1024 : i32
    %mul3A_78 = arith.muli %arg0, %mul3A_77 : i32
    %iota3A = tpu.iota {dimensions = array<i32: 1>} : vector<1x1024xi32>
    %add3A_79 = vector.broadcast %mul3A_78 : i32 to vector<1x1024xi32>
    %add3A_80 = arith.addi %add3A_79, %iota3A : vector<1x1024xi32>
    %lt3A = arith.constant 50000 : i32
    %lt3A_81 = vector.broadcast %lt3A : i32 to vector<1x1024xi32>
    %lt3A_82 = arith.cmpi slt, %add3A_80, %lt3A_81 : vector<1x1024xi32>
    %jit3A = arith.constant 0.000000e+00 : f32
    %broadcast_in_dim3A = vector.shape_cast %lt3A_82 : vector<1x1024xi1> to vector<1x1024xi1>
    %broadcast_in_dim3A_83 = vector.broadcast %broadcast_in_dim3A : vector<1x1024xi1> to vector<256x1024xi1>
    %broadcast_in_dim3A_84 = vector.broadcast %jit3A : f32 to vector<256x1024xf32>
    %select_n3A_85 = arith.select %broadcast_in_dim3A_83, %add3A_73, %broadcast_in_dim3A_84 : vector<256x1024xi1>, vector<256x1024xf32>
    %reduce_sum3A = arith.constant dense<0.000000e+00> : vector<256xf32>
    %reduce_sum3A_86 = vector.multi_reduction <add>, %select_n3A_85, %reduce_sum3A [1] : vector<256x1024xf32> to vector<256xf32>
    %mul3A_87 = arith.mulf %select_n3A_85, %select_n3A_85 : vector<256x1024xf32>
    %reduce_sum3A_88 = arith.constant dense<0.000000e+00> : vector<256xf32>
    %reduce_sum3A_89 = vector.multi_reduction <add>, %mul3A_87, %reduce_sum3A_88 [1] : vector<256x1024xf32> to vector<256xf32>
    %broadcast_in_dim3A_90 = arith.constant 0.000000e+00 : f32
    %broadcast_in_dim3A_91 = vector.broadcast %broadcast_in_dim3A_90 : f32 to vector<256xf32>
    %stack3A = vector.shape_cast %reduce_sum3A_86 : vector<256xf32> to vector<1x256xf32>
    %stack3A_92 = vector.shape_cast %reduce_sum3A_89 : vector<256xf32> to vector<1x256xf32>
    %stack3A_93 = vector.shape_cast %broadcast_in_dim3A_91 : vector<256xf32> to vector<1x256xf32>
    %stack3A_94 = vector.shape_cast %broadcast_in_dim3A_91 : vector<256xf32> to vector<1x256xf32>
    %stack3A_95 = vector.shape_cast %broadcast_in_dim3A_91 : vector<256xf32> to vector<1x256xf32>
    %stack3A_96 = vector.shape_cast %broadcast_in_dim3A_91 : vector<256xf32> to vector<1x256xf32>
    %stack3A_97 = vector.shape_cast %broadcast_in_dim3A_91 : vector<256xf32> to vector<1x256xf32>
    %stack3A_98 = vector.shape_cast %broadcast_in_dim3A_91 : vector<256xf32> to vector<1x256xf32>
    %stack3A_99 = tpu.concatenate %stack3A, %stack3A_92, %stack3A_93, %stack3A_94, %stack3A_95, %stack3A_96, %stack3A_97, %stack3A_98 in 0 : vector<1x256xf32>, vector<1x256xf32>, vector<1x256xf32>, vector<1x256xf32>, vector<1x256xf32>, vector<1x256xf32>, vector<1x256xf32>, vector<1x256xf32> -> vector<8x256xf32>
    %eq3A = arith.constant 0 : i32
    %eq3A_100 = arith.cmpi eq, %arg0, %eq3A : i32
    %convert_element_type3A = arith.extui %eq3A_100 : i1 to i32
    %cond3A = arith.constant 0 : i32
    %cond3A_101 = arith.cmpi ne, %convert_element_type3A, %cond3A : i32
    scf.if %cond3A_101 {
      %swap3A_106 = arith.constant 0 : index
      %swap3A_107 = arith.constant 0 : index
      %swap3A_108 = vector.load %arg13[%swap3A_106, %swap3A_107] : memref<8x256xf32, #tpu.memory_space<vmem>>, vector<8x256xf32>
      tpu.vector_store %arg13[%swap3A_106, %swap3A_107], %stack3A_99 {strides = array<i32>} : memref<8x256xf32, #tpu.memory_space<vmem>>, vector<8x256xf32>,
    } else {
    }
    %ne3A = arith.constant 0 : i32
    %ne3A_102 = arith.cmpi ne, %arg0, %ne3A : i32
    %convert_element_type3A_103 = arith.extui %ne3A_102 : i1 to i32
    %cond3A_104 = arith.constant 0 : i32
    %cond3A_105 = arith.cmpi ne, %convert_element_type3A_103, %cond3A_104 : i32
    scf.if %cond3A_105 {
      %get3A_106 = arith.constant 0 : index
      %get3A_107 = arith.constant 0 : index
      %get3A_108 = vector.load %arg13[%get3A_106, %get3A_107] : memref<8x256xf32, #tpu.memory_space<vmem>>, vector<8x256xf32>
      %add3A_109 = arith.addf %get3A_108, %stack3A_99 : vector<8x256xf32>
      %swap3A_110 = arith.constant 0 : index
      %swap3A_111 = arith.constant 0 : index
      %swap3A_112 = vector.load %arg13[%swap3A_110, %swap3A_111] : memref<8x256xf32, #tpu.memory_space<vmem>>, vector<8x256xf32>
      tpu.vector_store %arg13[%swap3A_110, %swap3A_111], %add3A_109 {strides = array<i32>} : memref<8x256xf32, #tpu.memory_space<vmem>>, vector<8x256xf32>,
    } else {
    }
    return
  }
  func.func @transform_0(%arg0: i32) -> (i32, i32) {
    %c0_i32 = arith.constant 0 : i32
    %c0_i32_0 = arith.constant 0 : i32
    return %c0_i32, %arg0 : i32, i32
  }
  func.func @transform_1(%arg0: i32) -> (i32, i32) {
    %c0_i32 = arith.constant 0 : i32
    %c0_i32_0 = arith.constant 0 : i32
    return %c0_i32, %arg0 : i32, i32
  }
  func.func @transform_2(%arg0: i32) -> (i32, i32) {
    %c0_i32 = arith.constant 0 : i32
    %c0_i32_0 = arith.constant 0 : i32
    %c0_i32_1 = arith.constant 0 : i32
    return %c0_i32, %c0_i32_0 : i32, i32
  }
  func.func @transform_3(%arg0: i32) -> (i32, i32) {
    %c0_i32 = arith.constant 0 : i32
    %c0_i32_0 = arith.constant 0 : i32
    %c0_i32_1 = arith.constant 0 : i32
    return %c0_i32, %c0_i32_0 : i32, i32
  }
  func.func @transform_4(%arg0: i32) -> (i32, i32) {
    %c0_i32 = arith.constant 0 : i32
    %c0_i32_0 = arith.constant 0 : i32
    %c0_i32_1 = arith.constant 0 : i32
    return %c0_i32, %c0_i32_0 : i32, i32
  }
  func.func @transform_5(%arg0: i32) -> (i32, i32) {
    %c0_i32 = arith.constant 0 : i32
    %c0_i32_0 = arith.constant 0 : i32
    %c0_i32_1 = arith.constant 0 : i32
    return %c0_i32, %c0_i32_0 : i32, i32
  }
  func.func @transform_6(%arg0: i32) -> (i32, i32) {
    %c0_i32 = arith.constant 0 : i32
    %c0_i32_0 = arith.constant 0 : i32
    %c0_i32_1 = arith.constant 0 : i32
    return %c0_i32, %c0_i32_0 : i32, i32
  }
  func.func @transform_7(%arg0: i32) -> (i32, i32) {
    %c0_i32 = arith.constant 0 : i32
    %c0_i32_0 = arith.constant 0 : i32
    %c0_i32_1 = arith.constant 0 : i32
    return %c0_i32, %c0_i32_0 : i32, i32
  }
  func.func @transform_8(%arg0: i32) -> (i32, i32) {
    %c0_i32 = arith.constant 0 : i32
    %c0_i32_0 = arith.constant 0 : i32
    %c0_i32_1 = arith.constant 0 : i32
    return %c0_i32, %c0_i32_0 : i32, i32
  }
  func.func @transform_9(%arg0: i32) -> (i32, i32) {
    %c0_i32 = arith.constant 0 : i32
    %c0_i32_0 = arith.constant 0 : i32
    %c0_i32_1 = arith.constant 0 : i32
    return %c0_i32, %c0_i32_0 : i32, i32
  }
  func.func @transform_10(%arg0: i32) -> (i32, i32) {
    %c0_i32 = arith.constant 0 : i32
    %c0_i32_0 = arith.constant 0 : i32
    return %c0_i32, %arg0 : i32, i32
  }
  func.func @transform_11(%arg0: i32) -> (i32, i32) {
    %c0_i32 = arith.constant 0 : i32
    %c0_i32_0 = arith.constant 0 : i32
    return %c0_i32, %arg0 : i32, i32
  }
  func.func @transform_12(%arg0: i32) -> (i32, i32) {
    %c0_i32 = arith.constant 0 : i32
    %c0_i32_0 = arith.constant 0 : i32
    %c0_i32_1 = arith.constant 0 : i32
    return %c0_i32, %c0_i32_0 : i32, i32
  }
}

module attributes {stable_mosaic.version = 14 : i64} {
  func.func @_stage_c(%arg0: i32, %arg1: memref<256x1024xf32, #tpu.memory_space<vmem>>, %arg2: memref<256x1xf32, #tpu.memory_space<vmem>>, %arg3: memref<256x1xf32, #tpu.memory_space<vmem>>, %arg4: memref<4x256xf32, #tpu.memory_space<vmem>>, %arg5: memref<4x1xf32, #tpu.memory_space<vmem>>, %arg6: memref<4x1024xf32, #tpu.memory_space<vmem>>) attributes {dimension_semantics = [#tpu.dimension_semantics<arbitrary>], iteration_bounds = array<i64: 49>, scalar_prefetch = 0 : i64, scratch_operands = 0 : i64, tpu.core_type = #tpu.core_type<tc>, window_params = [{transform_indices = @transform_0, window_bounds = array<i64: 256, 1024>}, {pipeline_mode = #tpu.pipeline_mode<synchronous>, transform_indices = @transform_1, window_bounds = array<i64: 256, 1>}, {pipeline_mode = #tpu.pipeline_mode<synchronous>, transform_indices = @transform_2, window_bounds = array<i64: 256, 1>}, {pipeline_mode = #tpu.pipeline_mode<synchronous>, transform_indices = @transform_3, window_bounds = array<i64: 4, 256>}, {pipeline_mode = #tpu.pipeline_mode<synchronous>, transform_indices = @transform_4, window_bounds = array<i64: 4, 1>}, {transform_indices = @transform_5, window_bounds = array<i64: 4, 1024>}]} {
    %get3A = arith.constant 0 : index
    %get3A_0 = arith.constant 0 : index
    %get3A_1 = vector.load %arg1[%get3A, %get3A_0] : memref<256x1024xf32, #tpu.memory_space<vmem>>, vector<256x1024xf32>
    %get3A_2 = arith.constant 0 : index
    %get3A_3 = arith.constant 0 : index
    %get3A_4 = vector.load %arg2[%get3A_2, %get3A_3] : memref<256x1xf32, #tpu.memory_space<vmem>>, vector<256x1xf32>
    %mul3A = vector.broadcast %get3A_4 : vector<256x1xf32> to vector<256x1024xf32>
    %mul3A_5 = arith.mulf %get3A_1, %mul3A : vector<256x1024xf32>
    %get3A_6 = arith.constant 0 : index
    %get3A_7 = arith.constant 0 : index
    %get3A_8 = vector.load %arg3[%get3A_6, %get3A_7] : memref<256x1xf32, #tpu.memory_space<vmem>>, vector<256x1xf32>
    %add3A = vector.broadcast %get3A_8 : vector<256x1xf32> to vector<256x1024xf32>
    %add3A_9 = arith.addf %mul3A_5, %add3A : vector<256x1024xf32>
    %max3A = arith.constant 0.000000e+00 : f32
    %max3A_10 = vector.broadcast %max3A : f32 to vector<256x1024xf32>
    %max3A_11 = arith.maximumf %add3A_9, %max3A_10 : vector<256x1024xf32>
    %get3A_12 = arith.constant 0 : index
    %get3A_13 = arith.constant 0 : index
    %get3A_14 = vector.load %arg4[%get3A_12, %get3A_13] : memref<4x256xf32, #tpu.memory_space<vmem>>, vector<4x256xf32>
    %dot_general3A = arith.constant dense<0.000000e+00> : vector<4x1024xf32>
    %dot_general3A_15 = tpu.matmul %get3A_14, %max3A_11, %dot_general3A {dimension_numbers = #tpu.dot_dimension_numbers<[1], [0], [0], [1], [0, 0, 1, 1], [], []>, transpose_lhs_hint = false} : vector<4x256xf32>, vector<256x1024xf32>, vector<4x1024xf32> -> vector<4x1024xf32>
    %get3A_16 = arith.constant 0 : index
    %get3A_17 = arith.constant 0 : index
    %get3A_18 = vector.load %arg5[%get3A_16, %get3A_17] : memref<4x1xf32, #tpu.memory_space<vmem>>, vector<4x1xf32>
    %add3A_19 = vector.broadcast %get3A_18 : vector<4x1xf32> to vector<4x1024xf32>
    %add3A_20 = arith.addf %dot_general3A_15, %add3A_19 : vector<4x1024xf32>
    %swap3A = arith.constant 0 : index
    %swap3A_21 = arith.constant 0 : index
    %swap3A_22 = vector.load %arg6[%swap3A, %swap3A_21] : memref<4x1024xf32, #tpu.memory_space<vmem>>, vector<4x1024xf32>
    tpu.vector_store %arg6[%swap3A, %swap3A_21], %add3A_20 {strides = array<i32>} : memref<4x1024xf32, #tpu.memory_space<vmem>>, vector<4x1024xf32>,
    return
  }
  func.func @transform_0(%arg0: i32) -> (i32, i32) {
    %c0_i32 = arith.constant 0 : i32
    %c0_i32_0 = arith.constant 0 : i32
    return %c0_i32, %arg0 : i32, i32
  }
  func.func @transform_1(%arg0: i32) -> (i32, i32) {
    %c0_i32 = arith.constant 0 : i32
    %c0_i32_0 = arith.constant 0 : i32
    %c0_i32_1 = arith.constant 0 : i32
    return %c0_i32, %c0_i32_0 : i32, i32
  }
  func.func @transform_2(%arg0: i32) -> (i32, i32) {
    %c0_i32 = arith.constant 0 : i32
    %c0_i32_0 = arith.constant 0 : i32
    %c0_i32_1 = arith.constant 0 : i32
    return %c0_i32, %c0_i32_0 : i32, i32
  }
  func.func @transform_3(%arg0: i32) -> (i32, i32) {
    %c0_i32 = arith.constant 0 : i32
    %c0_i32_0 = arith.constant 0 : i32
    %c0_i32_1 = arith.constant 0 : i32
    return %c0_i32, %c0_i32_0 : i32, i32
  }
  func.func @transform_4(%arg0: i32) -> (i32, i32) {
    %c0_i32 = arith.constant 0 : i32
    %c0_i32_0 = arith.constant 0 : i32
    %c0_i32_1 = arith.constant 0 : i32
    return %c0_i32, %c0_i32_0 : i32, i32
  }
  func.func @transform_5(%arg0: i32) -> (i32, i32) {
    %c0_i32 = arith.constant 0 : i32
    %c0_i32_0 = arith.constant 0 : i32
    return %c0_i32, %arg0 : i32, i32
  }
}

</mosaic_0001>

<sc_bundles>
// kernel: sparse-core-data-format-call.cloned.1.call-start
scs
called_computation_lowered:
.L_overlay_start_0:
0x0: {  	s2 =	sld [smem:$0x3FD9]  }
0x1: {  	s3 =	sld [smem:$0x3FFE];
	_ =	sdelay $0x1  }
0x2: {  	s1 =	srdreg.scid  }
0x3: {  	s0 =	sand.u32 $0x1, s1  }
0x4: {  	s15 =	sshll.u32 s0, $0xA;
	s2 =	sadd.s32 s3, s2  }
0x5: {  	s2 =	sadd.s32 s2, s15  }
0x6: {  	[smem:$0x3FA7] =	sst s2  }
0x7: {  	_ = 	snop  }
0x8: {  	s2 =	sld [smem:$0x3FD0];
	_ =	sdelay $0x2  }
0x9: {  	s16 =	simm.s32 $0xA;
	s4 =	simm.s32 $0x10  }
0xa: {  	[smem:s4], [sflag:s16] =	dma.local [hbm:s2], $0x1  }
0xb: {  	_ =	swait.eq [sflag:s16], $0x1  }
0xc: {  	[sflag:s16] =	ssyncset.done $0x0  }
0xd: {  	[sflag:s16] =	ssyncadd.s32 $0xFFFFFFFF  }
0xe: {  	s17 =	sld [smem:$0x11];
	(tm) =	ssettm $0x1  }
0xf: {  	s18 =	sld [smem:$0x3FFB];
	_ =	sdelay $0x3  }
0x10: {  	_ =	strace s18  }
0x11: {  	s3 =	sld [smem:$0x3FFC];
	_ =	sdelay $0x3  }
0x12: {  	_ =	strace s3  }
0x13: {  	s3 =	sld [smem:$0x3FFD];
	_ =	sdelay $0x3  }
0x14: {  	_ =	strace s3  }
0x15: {  	_ =	strace $0x8FFFFFFF  }
0x16: {  	s19 =	sld [smem:$0x3FDB];
	_ =	sdelay $0x1  }
0x17: {  	s20 =	simm.s32 $_scs_section_size  }
0x18: {  	s5 =	simm.s32 $_size__tile_overlayer_lowered;
	s6 =	simm.s32 $_tile_overlayer_lowered  }
0x19: {  	s23 =	simm.s32 $0x1BFF;
	s22 =	sshll.u32 s6, $0x1;
	s3 =	sadd.s32 s20, s19  }
0x1a: {  	s7 =	simm.s32 $0x0;
	s21 =	sshll.u32 s5, $0x1;
	s5 =	sadd.s32 s22, s3  }
0x1b: {  	[timem:s7], [sflag:s23] =	dma.local [hbm:s5], s21  }
0x1c: {  	_ =	swait.ge [sflag:s23], s21  }
0x1d: {  	s4 =	ssub.s32 $0x0, s21;
	[sflag:s23] =	ssyncset.done $0x0  }
0x1e: {  	[sflag:s23] =	ssyncadd.s32 s4;
	_ =	sdelay $0x1  }
0x1f: {  	s24 =	simm.s32 $0x1B8B  }
0x20: {  	_ =	swait.ge [sflag:s24], $0x1  }
0x21: {  	[sflag:s24] =	ssyncset.done $0x0  }
0x22: {  	s26 =	simm.s32 $0x1B8E;
	s25 =	sld [smem:$0x3FFE];
	[sflag:s24] =	ssyncadd.s32 $0xFFFFFFFF  }
0x23: {  	s27 =	simm.s32 $execute0_lowered;
	[smem:$0x3FD2] =	sst s26  }
0x24: {  	s5 =	sshll.u32 s27, $0x1;
	_ =	strace $0x80000046;
	[dreg:$0x1] =	wrdreg $0xFFFFFFFF  }
0x25: {  	s28 =	simm.s32 $_size_execute0_lowered;
	s3 =	sadd.s32 s3, s5;
	[dreg:$0x0] =	wrdreg $0x0  }
0x26: {  	s5 =	sshll.u32 s28, $0x1;
	[dreg:$0x2] =	wrdreg s3  }
0x27: {  	[dreg:$0x3] =	wrdreg s5  }
0x28: {  	[dreg:$0x4] =	wrdreg $0xC0  }
0x29: {  	_ =	task [dreg:s7], $0x5FFFF  }
0x2a: {  	[dreg:$0x1] =	wrdreg $0xFFFFFFFF  }
0x2b: {  	[dreg:$0x0] =	wrdreg $0x60  }
0x2c: {  	[dreg:$0x2] =	wrdreg s25  }
0x2d: {  	[dreg:$0x3] =	wrdreg s17  }
0x2e: {  	[dreg:$0x4] =	wrdreg $0x9  }
0x2f: {  	_ =	task.clear_ibuf [dreg:s7], $0x5FFFF;
	_ =	strace $0x90000046  }
0x30: {  	s29 =	simm.s32 $0x9;
	_ =	strace $0x80000048  }
0x31: {  	_ =	swait.ge [sflag:s29], $0x1  }
0x32: {  	[sflag:s29] =	ssyncadd.s32 $0xFFFFFFFF  }
0x33: {  	_ =	strace $0x90000048  }
0x34: {  	_ =	sfence  }
0x35: {  	s30 =	sld [smem:$0x0];
	_ =	sdelay $0x2  }
0x36: {  	s31 =	sshll.u32 s1, $0xD;
	s1 =	sshrl.u32 s1, $0x2  }
0x37: {  	s3 =	sand.u32 $0x4000, s31;
	s1 =	sadd.s32 s1, s30  }
0x38: {  	s0 =	sor.u32 s3, s0;
	s1 =	sshll.u32 s1, $0x11  }
0x39: {  	s0 =	sor.u32 s1, s0  }
0x3a: {  	s0 =	sadd.s32 $0x8F2B, s0  }
0x3b: {  	[sflag:s0] =	ssyncadd.remote.s32 $0x1  }
0x3c: {  	_ =	sfence.sel $0xFFFF  }
0x3d: {  	[dreg:$0x0] =	wrdreg $0xFFFFFFFF;
	(pc) =	sbr.abs _section_cstart, $3  }
0x3e: {  	[dreg:$0x1] =	wrdreg $0xFFFFFFFF  }
0x3f: {  	_ =	task.clear_ibuf [dreg:s7], $0x2FFFF;
	_ =	strace $0x9FFFFFFF  }
0x40: {  	(tm) =	ssettm $0x7FFFFFFF  }
0x41: {  	_ =	shalt  }
tec
execute0_lowered:
.L_overlay_start_1:
0x0: {  	(tag) =	ssettag $0x1  }
0x1: {  	s0 =	stileid.u32  }
0x2: {  	s1 =	srdreg.scid;
	s7 =	rddreg [dreg:$0x0];
	s31 =	simm.s32 $0x2  }
0x3: {  	s16 =	simm.s32 $0x0;
	p0 =	por $0x0, $0x0;
	s9 =	simm.s32 $0x800  }
0x4: {  	s15 =	simm.s32 $0x0;
	s10 =	simm.s32 $0x0;
	s11 =	simm.s32 $0x0  }
0x5: {  	s2 =	sshll.u32 s0, $0x7;
	s3 =	sshll.u32 s0, $0x6;
	s4 =	sshll.u32 s1, $0xA  }
0x6: {  	s14 =	simm.s32 $0x0;
	s1 =	sand.u32 $0x80, s2;
	s29 =	sor.u32 s3, s4  }
0x7: {  	s4 =	rddreg [dreg:$0x1];
	s3 =	sand.u32 $0x780, s29;
	s30 =	ssub.s32 $0x100, s1  }
0x8: {  	s5 =	sshrl.u32 s30, $0x7;
	s6 =	ssub.s32 $0xC300, s3;
	s8 =	sshrl.u32 s30, $0x8  }
.Ltmp0:
0x9: {  	s5 =	sand.u32 $0x1, s5;
	s6 =	sshrl.u32 s6, $0xB;
	(pc) =	sbr.rel .LBB1_1-.Ltmp0, $4  }
0xa: {  	s2 =	rddreg [dreg:$0x2];
	s8 =	sadd.s32 s8, s5;
	s6 =	sadd.s32 $0x1, s6  }
0xb: {  	_ =	strace $0x80000047;
	s5 =	simm.s32 $0x1;
	s6 =	smul.u32 s8, s6  }
0xc: {  	s7 =	sadd.s32 $0x49AC00, s7;
	s13 =	smov.u32 s1;
	[sflag:s5] =	ssyncpa.u1 $0x0  }
0xd: {  	s12 =	smov.u32 s3;
	[sflag:s31] =	ssyncpa.u1 $0x0;
	s8 =	sadd.s32 $0x1, s6  }
.LBB1_4:
0xe: {  	s21 =	sshra.s32 s21, $0x2;
	s22 =	sshll.u32 s10, $0x8  }
0xf: {  	s23 =	sshll.u32 s11, $0x3;
	s24 =	sshll.u32 s10, $0x7;
	s27 =	sand.u32 $0x78, s11  }
0x10: {  	p1 =	sgt.s32 s10, $0xC2D0;
	s22 =	sand.u32 $0xFFFFF800, s22;
	s23 =	sand.u32 $0xFFFFFC00, s23  }
0x11: {  	s20 =	sadd.s32 s21, s20;
	s26 =	sand.u32 $0x300, s24;
	s28 =	sand.u32 $0x80, s24  }
0x12: {  	v5 =	vld [tilespmem:s18+$0xFFFFFFD0];
	[tilespmem:s19+$0x2040 ss:$0x81] =	vst.msk $0xffff, v4;
	s25 =	sadd.s32 s23, s22;
	s22 =	sor.u32 s27, s28;
	s23 =	smov.u32 s10  }
0x13: {  	v58 =	vld [tilespmem:s18+$0xFFFFFFE0];
	[tilespmem:s19+$0x2850 ss:$0x81] =	vst.msk $0xffff, v3;
	s21 =	sor.u32 s26, s25;
	s23 =	simm.s32 @!p1 $0xC2D0;
	s25 =	sshra.s32 s10, $0x1F  }
0x14: {  	v59 =	vld [tilespmem:s18+$0xFFFFFFF0];
	[tilespmem:s19+$0x3060 ss:$0x81] =	vst.msk $0xffff, v2;
	p1 =	sgt.s32 s11, $0x80;
	s26 =	sshra.s32 s11, $0x1F;
	s21 =	sshrl.u32 s21, $0x8  }
0x15: {  	v60 =	vld [tilespmem:s18+$0x0];
	[tilespmem:s19+$0x0 ss:$0x81] =	vst.msk $0xffff, v1;
	s30 =	sand.u32 s25, s10;
	s25 =	smov.u32 s11;
	s31 =	sand.u32 s26, s11  }
0x16: {  	v61 =	vld [tilespmem:s18+$0x10];
	[tilespmem:s20+$0x3870 ss:$0x81] =	vst.msk $0xffff, v0;
	s29 =	smulhi.u32 $0x14F8B59, s21;
	s19 =	ssub.s32 s23, s30;
	s25 =	simm.s32 @!p1 $0x80  }
0x17: {  	v62 =	vld [tilespmem:s18+$0x20];
	[tilespmem:s20+$0x810 ss:$0x81] =	vst.msk $0xffff, v5;
	s23 =	ssub.s32 s25, s31;
	s26 =	sadd.s32 $0xFFFF3D30, s19;
	s19 =	ssub.s32 $0xC350, s19  }
0x18: {  	v63 =	vld [tilespmem:s18+$0xFFFFFFC0];
	[tilespmem:s20+$0x1020 ss:$0x81] =	vst.msk $0xffff, v58;
	s24 =	sshrl.u32 s29, $0x8;
	p1 =	sgt.s32 s26, $0x7F;
	s28 =	sadd.s32 $0xFFFFFF80, s23  }
0x19: {  	[tilespmem:s20+$0x1830 ss:$0x81] =	vst.msk $0xffff, v59;
	s23 =	ssub.s32 $0x100, s23;
	s27 =	smul.u32 $0xC350, s24;
	p2 =	sgt.s32 s28, $0x7F  }
0x1a: {  	[tilespmem:s20+$0x2040 ss:$0x81] =	vst.msk $0xffff, v60;
	s30 =	sand.u32 $0x7, s11;
	s19 =	simm.s32 @p1 $0x0;
	s23 =	simm.s32 @p2 $0x0  }
0x1b: {  	[tilespmem:s20+$0x2850 ss:$0x81] =	vst.msk $0xffff, v61;
	s29 =	sshrl.u32 s22, $0x3;
	s18 =	ssub.s32 s21, s27;
	s19 =	smul.u32 s23, s19  }
0x1c: {  	[tilespmem:s20+$0x3060 ss:$0x81] =	vst.msk $0xffff, v62;
	s22 =	sshll.u32 s30, $0x12;
	s21 =	sadd.s32 s4, s29;
	s18 =	sshll.u32 s18, $0x5  }
0x1d: {  	[tilespmem:s20+$0x0 ss:$0x81] =	vst.msk $0xffff, v63;
	s31 =	sor.u32 $0x400, s22;
	s19 =	sand.u32 $0x3FFFFFFF, s19;
	s18 =	sadd.s32 s18, s21  }
0x1e: {  	[hbm4b:s18+s31] =	stream.strided.scatter [tilespmem:s17], [sflag:$0x2], s19, s9, s31, $0x20;
	[tilespmem:$0x10100] =	vst v63  }
.LBB1_5:
0x1f: {  	p1 =	slt.u32 s14, $0x2  }
0x20: {  	s18 =	smov.u32 s16;
	p2 =	sgt.s32 @!p1 s16, $0xC2D0;
	s17 =	sshra.s32 @!p1 s16, $0x1F  }
0x21: {  	p3 =	sgt.s32 @!p1 s15, $0x80;
	s19 =	sshra.s32 @!p1 s15, $0x1F;
	p2 =	por !p2, p1  }
0x22: {  	s16 =	sand.u32 @!p1 s17, s16;
	p3 =	por !p3, p1;
	s17 =	smov.u32 s15  }
0x23: {  	s15 =	sand.u32 @!p1 s19, s15;
	s18 =	simm.s32 @p2 $0xC2D0;
	s17 =	simm.s32 @p3 $0x80  }
0x24: {  	s16 =	ssub.s32 @!p1 s18, s16;
	s15 =	ssub.s32 @!p1 s17, s15  }
0x25: {  	s19 =	smov.u32 s13;
	s17 =	sadd.s32 @!p1 $0xFFFF3D30, s16;
	s18 =	sadd.s32 @!p1 $0xFFFFFF80, s15  }
0x26: {  	s16 =	ssub.s32 @!p1 $0xC350, s16;
	p2 =	sgt.s32 @!p1 s17, $0x7F;
	p3 =	sgt.s32 @!p1 s18, $0x7F  }
0x27: {  	s15 =	ssub.s32 @!p1 $0x100, s15;
	p2 =	por !p2, p1;
	p3 =	por !p3, p1  }
0x28: {  	s17 =	sadd.s32 $0x800, s12;
	s16 =	simm.s32 @!p2 $0x0;
	s15 =	simm.s32 @!p3 $0x0  }
0x29: {  	p2 =	sgt.s32 s17, $0xC34F;
	s15 =	smul.u32 @!p1 s15, s16;
	s16 =	sadd.s32 $0x100, s13  }
0x2a: {  	s19 =	smov.u32 @p2 s16  }
0x2b: {  	s17 =	smov.u32 @p2 s3;
	p2 =	sgt.s32 s19, $0xFF  }
0x2c: {  	s19 =	smov.u32 @p2 s1;
	p2 =	sne.s32 s14, s8  }
.Ltmp1:
0x2d: {  	p0 =	por !p0, !p0;
	s18 =	simm.s32 @!p1 $0x2;
	(pc) =	sbr.rel @!p2 .LBB1_6-.Ltmp1, $4  }
0x2e: {  	s16 =	smov.u32 s10;
	s10 =	smov.u32 s12;
	s15 =	sand.u32 @!p1 $0x3FFFFFFF, s15  }
0x2f: {  	s12 =	smov.u32 s17;
	_ =	swait.ge @!p1 [sflag:s18], s15;
	s20 =	ssub.s32 @!p1 $0x0, s15  }
0x30: {  	s15 =	smov.u32 s11;
	s14 =	sadd.s32 $0x1, s14;
	[sflag:s18] =	ssyncset.done @!p1 $0x0  }
0x31: {  	s11 =	smov.u32 s13;
	s13 =	smov.u32 s19;
	[sflag:s18] =	ssyncadd.s32 @!p1 s20  }
.LBB1_1:
0x32: {  	p1 =	sge.u32 s14, s6  }
0x33: {  	s17 =	sshrl.u32 @!p1 s13, $0x3  }
0x34: {  	s18 =	sshll.u32 @!p1 s12, $0x3;
	s17 =	smul.u32 @!p1 $0x61C00, s17  }
0x35: {  	s19 =	sshll.u32 @!p1 s13, $0x7;
	s18 =	sand.u32 @!p1 $0xFFFFFC00, s18  }
0x36: {  	s17 =	sadd.s32 @!p1 s17, s18;
	s18 =	sand.u32 @!p1 $0x380, s19  }
0x37: {  	s19 =	sand.u32 @!p1 $0x7F, s12;
	s17 =	sor.u32 @!p1 s18, s17  }
0x38: {  	s18 =	sor.u32 @!p1 s19, s17  }
0x39: {  	s19 =	smulhi.u32 @!p1 $0xA79C7B17, s18;
	_ =	sdelay $0x1  }
0x3a: {  	s17 =	smulhi.u32 @!p1 $0xA79C7B17, s17;
	s19 =	sshrl.u32 @!p1 s19, $0xF  }
0x3b: {  	s19 =	smul.u32 @!p1 $0xC380, s19  }
0x3c: {  	s31 =	sadd.s32 $0xFFFFFFFF, s14;
	s20 =	sxor.u32 @!p1 $0xFFFFFFFF, s14;
	s17 =	sshrl.u32 @!p1 s17, $0xF  }
0x3d: {  	s20 =	sshll.u32 @!p1 s20, $0xE;
	s17 =	sand.u32 @!p1 $0xFF, s17;
	s18 =	ssub.s32 @!p1 s18, s19  }
0x3e: {  	s17 =	smul.u32 @!p1 $0x1870, s17;
	s19 =	sshrl.u32 @!p1 s18, $0x3;
	s18 =	sand.u32 @!p1 $0x7, s18  }
0x3f: {  	s20 =	sand.u32 @!p1 $0x4000, s20;
	s19 =	sadd.s32 @!p1 s7, s19;
	s18 =	sshll.u32 @!p1 s18, $0x12  }
0x40: {  	s17 =	sadd.s32 @!p1 s17, s19;
	s18 =	sor.u32 @!p1 $0x400, s18;
	s19 =	simm.s32 @!p1 $0x61C00  }
0x41: {  	[tilespmem:s20], [sflag:$0x1] =	stream.strided.gather @!p1 [hbm4b:s17+s18], $0x4000, s19, s18, $0x38;
	[tilespmem:$0x10100] =	vst v63  }
0x42: {  	p1 =	sge.u32 s31, s6  }
.Ltmp2:
0x43: {  	_ = 	snop;
	(pc) =	sbr.rel @p1 .LBB1_5-.Ltmp2, $1  }
0x44: {  	_ =	sdelay $0x3  }
0x45: {  	s17 =	simm.s32 $0x1  }
0x46: {  	_ =	swait.ge [sflag:s5], $0x4000;
	s17 =	simm.s32 @!p0 $0x0  }
0x47: {  	[sflag:s5] =	ssyncset.done $0x0;
	s18 =	sshll.u32 s17, $0xE  }
0x48: {  	[sflag:s5] =	ssyncadd.s32 $0xFFFFC000;
	s18 =	sor.u32 $0x40, s18  }
0x49: {  	s17 =	smul.u32 $0x10200, s17;
	v0 =	vld [tilespmem:s18+$0x30]  }
0x4a: {  	v1 =	vld [tilespmem:s18+$0xFFFFFFD0]  }
0x4b: {  	s17 =	sshrl.u32 s17, $0x2;
	v5 =	vld [tilespmem:s18+$0xFFFFFFE0]  }
0x4c: {  	v6 =	vld [tilespmem:s18+$0xFFFFFFF0];
	s20 =	sor.u32 $0x8000, s17  }
0x4d: {  	s31 =	sand.u32 $0x1, s14;
	v4 =	vld [tilespmem:s18+$0x0];
	s19 =	sadd.s32 $0x0, s20  }
0x4e: {  	v3 =	vld [tilespmem:s18+$0x10];
	s17 =	smul.u32 $0x10200, s31;
	[tilespmem:s19+$0x3870 ss:$0x81] =	vst.msk $0xffff, v0  }
0x4f: {  	v2 =	vld [tilespmem:s18+$0x20];
	[tilespmem:s19+$0x810 ss:$0x81] =	vst.msk $0xffff, v1  }
0x50: {  	s17 =	sshrl.u32 s17, $0x2;
	v1 =	vld [tilespmem:s18+$0xFFFFFFC0];
	[tilespmem:s19+$0x1020 ss:$0x81] =	vst.msk $0xffff, v5;
	s18 =	sadd.s32 $0x80, s18  }
0x51: {  	s21 =	simm.s32 $0x4;
	s22 =	simm.s32 $0x8;
	s17 =	sor.u32 $0x8000, s17;
	[tilespmem:s19+$0x1830 ss:$0x81] =	vst.msk $0xffff, v6;
	v0 =	vld [tilespmem:s18+$0x30]  }
.LBB1_3:
0x52: {  	p1 =	sne.s32 s22, $0x1FC;
	v5 =	vld [tilespmem:s18+$0xFFFFFFD0];
	[tilespmem:s19+$0x2040 ss:$0x81] =	vst.msk $0xffff, v4  }
0x53: {  	v6 =	vld [tilespmem:s18+$0xFFFFFFE0];
	[tilespmem:s19+$0x2850 ss:$0x81] =	vst.msk $0xffff, v3  }
0x54: {  	s23 =	sshra.s32 s21, $0x2;
	s21 =	smov.u32 s22;
	v7 =	vld [tilespmem:s18+$0xFFFFFFF0];
	[tilespmem:s19+$0x3060 ss:$0x81] =	vst.msk $0xffff, v2  }
.Ltmp3:
0x55: {  	v4 =	vld [tilespmem:s18+$0x0];
	[tilespmem:s19+$0x0 ss:$0x81] =	vst.msk $0xffff, v1;
	s19 =	sadd.s32 s23, s20;
	(pc) =	sbr.rel @p1 .LBB1_3-.Ltmp3, $4  }
0x56: {  	v3 =	vld [tilespmem:s18+$0x10];
	[tilespmem:s19+$0x3870 ss:$0x81] =	vst.msk $0xffff, v0  }
0x57: {  	[tilespmem:s19+$0x810 ss:$0x81] =	vst.msk $0xffff, v5;
	v2 =	vld [tilespmem:s18+$0x20]  }
0x58: {  	v1 =	vld [tilespmem:s18+$0xFFFFFFC0];
	[tilespmem:s19+$0x1020 ss:$0x81] =	vst.msk $0xffff, v6;
	s18 =	sadd.s32 $0x80, s18  }
0x59: {  	s22 =	sadd.s32 $0x4, s22;
	v0 =	vld [tilespmem:s18+$0x30];
	[tilespmem:s19+$0x1830 ss:$0x81] =	vst.msk $0xffff, v7  }
.Ltmp4:
0x5a: {  	_ = 	snop;
	(pc) =	sbr.rel .LBB1_4-.Ltmp4, $1  }
0x5b: {  	_ =	sdelay $0x3  }
.LBB1_6:
0x5c: {  	_ =	sfence.sel $0x180000  }
0x5d: {  	s1 =	simm.s32 $0x1;
	[bflag:$0x0] =	sbarrier.arrive $0xFFFF  }
0x5e: {  	s31 =	simm.s32 $0x2;
	[sflag:s1] =	ssyncpa.u1 $0x1  }
0x5f: {  	[sflag:s31] =	ssyncpa.u1 $0x1  }
0x60: {  	p0 =	sne.s32 s0, $0x0;
	_ =	strace $0x90000047  }
0x61: {  	s0 =	sadd.s32 @!p0 $0x100000, s2;
	[bflag:$0x2] =	sbarrier.arrive $0xFFFF  }
0x62: {  	[sflag:s0] =	ssyncadd.tile.s32 @!p0 $0x1;
	_ =	shalt  }
.Lfunc_end1:
_tile_overlayer_lowered:
.L_overlay_start_2:
0x63: {  	(tag) =	ssettag $0x2  }
0x64: {  	s0 =	rddreg [dreg:$0x0];
	s2 =	stileid.u32  }
0x65: {  	s1 =	rddreg [dreg:$0x1];
	p0 =	sne.s32 s2, $0x0  }
0x66: {  	s3 =	rddreg [dreg:$0x2];
	[bflag:$0x3] =	sbarrier.arrive $0xFFFF;
	s2 =	simm.s32 @!p0 $0x1C01  }
0x67: {  	[timem:s3], [sflag:s2] =	dma.local @!p0 [hbm:s0], s1  }
0x68: {  	s0 =	simm.s32 @!p0 $0x1  }
0x69: {  	_ =	swait.ge @!p0 [sflag:s0], s1  }
0x6a: {  	s1 =	ssub.s32 @!p0 $0x0, s1;
	[sflag:s0] =	ssyncset.done @!p0 $0x0  }
0x6b: {  	[sflag:s0] =	ssyncadd.s32 @!p0 s1  }
0x6c: {  	[bflag:$0x3] =	sbarrier.arrive $0xFFFF  }
0x6d: {  	_ =	shalt  }

</sc_bundles>
